<compile_context>
chip_gen: v7x
topology: tpu7x:2x2x1
jax: 0.10.2.dev20260603
libtpu: 0.0.44.dev20260713+nightly
codegen_flags: <defaults>
</compile_context>

<pallas_src>
import functools

import jax
import jax.numpy as jnp
from jax import lax
from jax.experimental import pallas as pl
from jax.experimental.pallas import tpu as pltpu
from jax.experimental.pallas import tpu_sc as plsc

_W = 162
_MW = 1088
_NC = 2
_NS = 16
_TI = 4
_T = _TI * 128
_ZROWS = 256


def _build_lists(wid, n, b):
    iota = jnp.arange(n, dtype=jnp.int32)
    sorted_wid, indices = lax.sort_key_val(wid, iota)
    wr = jnp.arange(_W, dtype=jnp.int32)
    starts = jnp.searchsorted(sorted_wid, wr, side="left").astype(jnp.int32)
    ends = jnp.searchsorted(sorted_wid, wr, side="right").astype(jnp.int32)
    counts = ends - starts
    new_seg = jnp.concatenate(
        [jnp.ones((1,), jnp.bool_), sorted_wid[1:] != sorted_wid[:-1]])
    seg_start = lax.cummax(jnp.where(new_seg, iota, 0))
    dst_sorted = sorted_wid * _MW + (iota - seg_start)

    boff = (jnp.arange(b, dtype=jnp.int32) * (_W * _MW))[:, None]
    src = jnp.arange(b, dtype=jnp.int32)[:, None] * n + indices[None, :]
    dst = boff + dst_sorted[None, :]
    return indices, counts, src, dst


def _pad_half(a, hp):
    h = a.shape[1]
    tail = jnp.broadcast_to(a[:, h - 1:h], (a.shape[0], hp - h))
    return jnp.concatenate([a, tail], axis=1).reshape(-1, 128)


def _sc_route(x_flat, src2, dst2, zeros_rows, n_half_chunks, rows_per_tile,
              out_rows):
    mesh = plsc.VectorSubcoreMesh(core_axis_name="c", subcore_axis_name="s")
    chunk_rows_per_half = n_half_chunks * _TI
    nz_full, nz_rem = rows_per_tile // _ZROWS, rows_per_tile % _ZROWS

    @functools.partial(
        pl.kernel,
        mesh=mesh,
        out_type=jax.ShapeDtypeStruct((out_rows, 128), jnp.float32),
        scratch_types=[
            pltpu.VMEM((_TI, 128), jnp.int32),
            pltpu.VMEM((_TI, 128), jnp.int32),
            pltpu.VMEM((_T, 128), jnp.float32),
            pltpu.VMEM((_ZROWS, 128), jnp.float32),
            pltpu.SemaphoreType.DMA,
            pltpu.SemaphoreType.DMA,
            pltpu.SemaphoreType.DMA,
        ],
    )
    def k(x_hbm, src_hbm, dst_hbm, zero_hbm, out_hbm,
          sidx_v, didx_v, data_v, zero_v, sem_g, sem_s, sem_z):
        core = lax.axis_index("c")
        tile = lax.axis_index("s")
        pltpu.sync_copy(zero_hbm, zero_v)

        zbase = (core * _NS + tile) * rows_per_tile

        def zero_body(i, _):
            cps = [
                pltpu.async_copy(
                    zero_v,
                    out_hbm.at[pl.ds(zbase + (i * 8 + u) * _ZROWS, _ZROWS)],
                    sem_z)
                for u in range(8)
            ]
            for cp in cps:
                cp.wait()
            return 0

        lax.fori_loop(0, nz_full // 8, zero_body, 0)
        tail = [
            pltpu.async_copy(
                zero_v,
                out_hbm.at[pl.ds(zbase + (nz_full // 8 * 8 + u) * _ZROWS,
                                 _ZROWS)], sem_z)
            for u in range(nz_full % 8)
        ]
        if nz_rem:
            tail.append(
                pltpu.async_copy(
                    zero_v.at[pl.ds(0, nz_rem)],
                    out_hbm.at[pl.ds(zbase + nz_full * _ZROWS, nz_rem)],
                    sem_z))
        for cp in tail:
            cp.wait()

        plsc.subcore_barrier()

        def data_body(i, _):
            j = tile + i * _NS
            base = core * chunk_rows_per_half + j * _TI
            pltpu.sync_copy(src_hbm.at[pl.ds(base, _TI)], sidx_v)
            pltpu.sync_copy(dst_hbm.at[pl.ds(base, _TI)], didx_v)
            gets = [
                pltpu.async_copy(x_hbm.at[sidx_v.at[u]],
                                 data_v.at[pl.ds(u * 128, 128)], sem_g)
                for u in range(_TI)
            ]
            for cp in gets:
                cp.wait()
            puts = [
                pltpu.async_copy(data_v.at[pl.ds(u * 128, 128)],
                                 out_hbm.at[didx_v.at[u]], sem_s)
                for u in range(_TI)
            ]
            for cp in puts:
                cp.wait()
            return 0

        my_chunks = (n_half_chunks - tile + _NS - 1) // _NS
        lax.fori_loop(0, my_chunks, data_body, 0)

    return k(x_flat, src2, dst2, zeros_rows)


def kernel(x, window_ids):
    b, n, c = x.shape
    wid = window_ids.reshape(-1)
    if wid.shape[0] > n:
        wid = wid[:n]
    elif wid.shape[0] < n:
        wid = jnp.concatenate(
            [wid, jnp.zeros(n - wid.shape[0], dtype=wid.dtype)])
    wid32 = wid.astype(jnp.int32)

    indices, counts, src, dst = _build_lists(wid32, n, b)

    h = (b // _NC) * n
    n_half_chunks = -(-h // _T)
    hp = n_half_chunks * _T
    src2 = _pad_half(src.reshape(_NC, h), hp)
    dst2 = _pad_half(dst.reshape(_NC, h), hp)

    out_rows = b * _W * _MW
    rows_per_tile = out_rows // (_NC * _NS)
    x_flat = x.reshape(b * n, c)
    zeros_rows = jnp.zeros((_ZROWS, 128), dtype=jnp.float32)
    out = _sc_route(x_flat, src2, dst2, zeros_rows, n_half_chunks,
                    rows_per_tile, out_rows)
    windows = out.reshape(b * _W, _MW, c)
    return windows, indices, counts

# --- scband reference (transcript-rebuilt; emitter-appended) ---
"""Pipeline reference for scband-geodesic-window-partition-54262616818062 (READ-ONLY COPY).

The authoritative reference and input builder live on the scoring server;
editing this copy changes nothing except your own understanding.
"""

import jax, jax.numpy as jnp
import numpy as np

HIGH_N = 40962  # ico-6: 10*4^6+2 vertices
BASE_N = 162    # ico-2: 10*4^2+2 vertices
B, C = 4, 128

def _make_window_ids():
    # Deterministic stand-in for ico.get_ico_data: unit-sphere points,
    # each high-res vertex assigned to nearest base center (same math as
    # torch.cdist + argmin in the module __init__). Remapped to dense ids
    # so num_windows == window_ids.max()+1 == len(unique).
    rng = np.random.RandomState(0)
    centers = rng.randn(BASE_N, 3)
    centers = centers / np.linalg.norm(centers, axis=1, keepdims=True)
    verts = rng.randn(HIGH_N, 3)
    verts = verts / np.linalg.norm(verts, axis=1, keepdims=True)
    d = np.linalg.norm(verts[:, None, :] - centers[None, :, :], axis=-1)
    wid = np.argmin(d, axis=1)
    _, inv = np.unique(wid, return_inverse=True)
    return inv.astype(np.int64)

_STATIC_WID = _make_window_ids()
NUM_WINDOWS = int(np.unique(_STATIC_WID).shape[0])
MAX_WIN_SIZE = int(np.bincount(_STATIC_WID, minlength=NUM_WINDOWS).max())

def setup_inputs(seed: int = 0) -> dict:
    key = jax.random.key(seed)
    x = jax.random.normal(key, (B, HIGH_N, C), dtype=jnp.float32)
    window_ids = jnp.asarray(_make_window_ids())
    return {"x": x, "window_ids": window_ids}

def reference(x, window_ids):
    Bb, N, Cc = x.shape
    wid = window_ids.reshape(-1)
    if wid.shape[0] > N:
        wid = wid[:N]
    elif wid.shape[0] < N:
        pad = jnp.zeros(N - wid.shape[0], dtype=wid.dtype)
        wid = jnp.concatenate([wid, pad])
    num_windows = NUM_WINDOWS
    indices = jnp.argsort(wid)
    x_sorted = x[:, indices, :]
    counts = jnp.bincount(wid, minlength=num_windows, length=num_windows)
    max_win_size = MAX_WIN_SIZE
    # Vectorized equivalent of the per-window copy loop: within-window order
    # is preserved because argsort is stable and windows are contiguous after sort.
    sorted_wid = wid[indices]
    starts = jnp.cumsum(counts) - counts
    pos = jnp.arange(N) - starts[sorted_wid]
    x_windows = jnp.zeros((Bb, num_windows, max_win_size, Cc), dtype=x.dtype)
    x_windows = x_windows.at[:, sorted_wid, pos, :].set(x_sorted)
    windows = x_windows.reshape(-1, max_win_size, Cc)
    return windows, indices, counts

if __name__ == "__main__":
    import jax
    _d = setup_inputs()
    print(jax.jit(kernel)(*tuple(_d.values())))

</pallas_src>

<mosaic_0001>
#map = affine_map<(d0, d1) -> (0, 0)>
module attributes {stable_mosaic.version = 14 : i64} {
  func.func @k(%arg0: i32, %arg1: i32, %arg2: memref<163848x128xf32, #tpu.memory_space<hbm>>, %arg3: memref<1288x128xi32, #tpu.memory_space<hbm>>, %arg4: memref<1288x128xi32, #tpu.memory_space<hbm>>, %arg5: memref<256x128xf32, #tpu.memory_space<hbm>>, %arg6: memref<705024x128xf32, #tpu.memory_space<hbm>>, %arg7: memref<4x128xi32, #tpu.memory_space<vmem>>, %arg8: memref<4x128xi32, #tpu.memory_space<vmem>>, %arg9: memref<512x128xf32, #tpu.memory_space<vmem>>, %arg10: memref<256x128xf32, #tpu.memory_space<vmem>>, %arg11: memref<!tpu.dma_semaphore, #tpu.memory_space<semaphore_mem>>, %arg12: memref<!tpu.dma_semaphore, #tpu.memory_space<semaphore_mem>>, %arg13: memref<!tpu.dma_semaphore, #tpu.memory_space<semaphore_mem>>) attributes {dimension_semantics = [#tpu.dimension_semantics<core_parallel>, #tpu.dimension_semantics<subcore_parallel>], iteration_bounds = array<i64: 2, 16>, scalar_prefetch = 0 : i64, scratch_operands = 7 : i64, tpu.core_type = #tpu.core_type<sc_vector_subcore>, window_params = [{transform_indices = #map}, {transform_indices = #map}, {transform_indices = #map}, {transform_indices = #map}, {transform_indices = #map}]} {
    "tpu.region"() ({
      %run_scoped3A = tpu.sem_alloc : memref<!tpu.dma_semaphore, #tpu.memory_space<semaphore_mem>>
      tpu.enqueue_dma source(%arg5 : memref<256x128xf32, #tpu.memory_space<hbm>>) target(%arg10 : memref<256x128xf32, #tpu.memory_space<vmem>>) target_semaphore(%run_scoped3A : memref<!tpu.dma_semaphore, #tpu.memory_space<semaphore_mem>>)
      tpu.wait_dma2 semaphore(%run_scoped3A : memref<!tpu.dma_semaphore, #tpu.memory_space<semaphore_mem>>) src(%arg5 : memref<256x128xf32, #tpu.memory_space<hbm>>) dst(%arg10 : memref<256x128xf32, #tpu.memory_space<vmem>>)
      tpu.yield
    }) : () -> ()
    %mul3A = arith.constant 16 : i32
    %mul3A_0 = arith.muli %arg0, %mul3A : i32
    %add3A = arith.addi %mul3A_0, %arg1 : i32
    %mul3A_1 = arith.constant 22032 : i32
    %mul3A_2 = arith.muli %add3A, %mul3A_1 : i32
    %scan3A = arith.constant 0 : i32
    %scan3A_3 = arith.constant 0 : i32
    %scan3A_4 = arith.constant 10 : i32
    %scan3A_5 = arith.addi %scan3A_3, %scan3A_4 : i32
    %scan3A_6 = arith.constant 1 : i32
    %scan3A_7 = scf.for %scan3A_122 = %scan3A_3 to %scan3A_5 step %scan3A_6 iter_args(%scan3A_123 = %scan3A) -> (i32)  : i32 {
      %mul3A_124 = arith.constant 8 : i32
      %mul3A_125 = arith.muli %scan3A_122, %mul3A_124 : i32
      %add3A_126 = arith.constant 0 : i32
      %add3A_127 = arith.addi %mul3A_125, %add3A_126 : i32
      %mul3A_128 = arith.constant 256 : i32
      %mul3A_129 = arith.muli %add3A_127, %mul3A_128 : i32
      %add3A_130 = arith.addi %mul3A_2, %mul3A_129 : i32
      %dma_start3A_131 = arith.constant 0 : i32
      %dma_start3A_132 = tpu.memref_slice %arg6[%add3A_130, %dma_start3A_131] : memref<705024x128xf32, #tpu.memory_space<hbm>> -> memref<256x128xf32, #tpu.memory_space<hbm>>
      %dma_start3A_133 = arith.constant 0 : i32
      %dma_start3A_134 = tpu.memref_slice %arg6[%add3A_130, %dma_start3A_133] : memref<705024x128xf32, #tpu.memory_space<hbm>> -> memref<256x128xf32, #tpu.memory_space<hbm>>
      tpu.enqueue_dma source(%arg10 : memref<256x128xf32, #tpu.memory_space<vmem>>) target(%dma_start3A_134 : memref<256x128xf32, #tpu.memory_space<hbm>>) target_semaphore(%arg13 : memref<!tpu.dma_semaphore, #tpu.memory_space<semaphore_mem>>)
      %mul3A_135 = arith.constant 8 : i32
      %mul3A_136 = arith.muli %scan3A_122, %mul3A_135 : i32
      %add3A_137 = arith.constant 1 : i32
      %add3A_138 = arith.addi %mul3A_136, %add3A_137 : i32
      %mul3A_139 = arith.constant 256 : i32
      %mul3A_140 = arith.muli %add3A_138, %mul3A_139 : i32
      %add3A_141 = arith.addi %mul3A_2, %mul3A_140 : i32
      %dma_start3A_142 = arith.constant 0 : i32
      %dma_start3A_143 = tpu.memref_slice %arg6[%add3A_141, %dma_start3A_142] : memref<705024x128xf32, #tpu.memory_space<hbm>> -> memref<256x128xf32, #tpu.memory_space<hbm>>
      %dma_start3A_144 = arith.constant 0 : i32
      %dma_start3A_145 = tpu.memref_slice %arg6[%add3A_141, %dma_start3A_144] : memref<705024x128xf32, #tpu.memory_space<hbm>> -> memref<256x128xf32, #tpu.memory_space<hbm>>
      tpu.enqueue_dma source(%arg10 : memref<256x128xf32, #tpu.memory_space<vmem>>) target(%dma_start3A_145 : memref<256x128xf32, #tpu.memory_space<hbm>>) target_semaphore(%arg13 : memref<!tpu.dma_semaphore, #tpu.memory_space<semaphore_mem>>)
      %mul3A_146 = arith.constant 8 : i32
      %mul3A_147 = arith.muli %scan3A_122, %mul3A_146 : i32
      %add3A_148 = arith.constant 2 : i32
      %add3A_149 = arith.addi %mul3A_147, %add3A_148 : i32
      %mul3A_150 = arith.constant 256 : i32
      %mul3A_151 = arith.muli %add3A_149, %mul3A_150 : i32
      %add3A_152 = arith.addi %mul3A_2, %mul3A_151 : i32
      %dma_start3A_153 = arith.constant 0 : i32
      %dma_start3A_154 = tpu.memref_slice %arg6[%add3A_152, %dma_start3A_153] : memref<705024x128xf32, #tpu.memory_space<hbm>> -> memref<256x128xf32, #tpu.memory_space<hbm>>
      %dma_start3A_155 = arith.constant 0 : i32
      %dma_start3A_156 = tpu.memref_slice %arg6[%add3A_152, %dma_start3A_155] : memref<705024x128xf32, #tpu.memory_space<hbm>> -> memref<256x128xf32, #tpu.memory_space<hbm>>
      tpu.enqueue_dma source(%arg10 : memref<256x128xf32, #tpu.memory_space<vmem>>) target(%dma_start3A_156 : memref<256x128xf32, #tpu.memory_space<hbm>>) target_semaphore(%arg13 : memref<!tpu.dma_semaphore, #tpu.memory_space<semaphore_mem>>)
      %mul3A_157 = arith.constant 8 : i32
      %mul3A_158 = arith.muli %scan3A_122, %mul3A_157 : i32
      %add3A_159 = arith.constant 3 : i32
      %add3A_160 = arith.addi %mul3A_158, %add3A_159 : i32
      %mul3A_161 = arith.constant 256 : i32
      %mul3A_162 = arith.muli %add3A_160, %mul3A_161 : i32
      %add3A_163 = arith.addi %mul3A_2, %mul3A_162 : i32
      %dma_start3A_164 = arith.constant 0 : i32
      %dma_start3A_165 = tpu.memref_slice %arg6[%add3A_163, %dma_start3A_164] : memref<705024x128xf32, #tpu.memory_space<hbm>> -> memref<256x128xf32, #tpu.memory_space<hbm>>
      %dma_start3A_166 = arith.constant 0 : i32
      %dma_start3A_167 = tpu.memref_slice %arg6[%add3A_163, %dma_start3A_166] : memref<705024x128xf32, #tpu.memory_space<hbm>> -> memref<256x128xf32, #tpu.memory_space<hbm>>
      tpu.enqueue_dma source(%arg10 : memref<256x128xf32, #tpu.memory_space<vmem>>) target(%dma_start3A_167 : memref<256x128xf32, #tpu.memory_space<hbm>>) target_semaphore(%arg13 : memref<!tpu.dma_semaphore, #tpu.memory_space<semaphore_mem>>)
      %mul3A_168 = arith.constant 8 : i32
      %mul3A_169 = arith.muli %scan3A_122, %mul3A_168 : i32
      %add3A_170 = arith.constant 4 : i32
      %add3A_171 = arith.addi %mul3A_169, %add3A_170 : i32
      %mul3A_172 = arith.constant 256 : i32
      %mul3A_173 = arith.muli %add3A_171, %mul3A_172 : i32
      %add3A_174 = arith.addi %mul3A_2, %mul3A_173 : i32
      %dma_start3A_175 = arith.constant 0 : i32
      %dma_start3A_176 = tpu.memref_slice %arg6[%add3A_174, %dma_start3A_175] : memref<705024x128xf32, #tpu.memory_space<hbm>> -> memref<256x128xf32, #tpu.memory_space<hbm>>
      %dma_start3A_177 = arith.constant 0 : i32
      %dma_start3A_178 = tpu.memref_slice %arg6[%add3A_174, %dma_start3A_177] : memref<705024x128xf32, #tpu.memory_space<hbm>> -> memref<256x128xf32, #tpu.memory_space<hbm>>
      tpu.enqueue_dma source(%arg10 : memref<256x128xf32, #tpu.memory_space<vmem>>) target(%dma_start3A_178 : memref<256x128xf32, #tpu.memory_space<hbm>>) target_semaphore(%arg13 : memref<!tpu.dma_semaphore, #tpu.memory_space<semaphore_mem>>)
      %mul3A_179 = arith.constant 8 : i32
      %mul3A_180 = arith.muli %scan3A_122, %mul3A_179 : i32
      %add3A_181 = arith.constant 5 : i32
      %add3A_182 = arith.addi %mul3A_180, %add3A_181 : i32
      %mul3A_183 = arith.constant 256 : i32
      %mul3A_184 = arith.muli %add3A_182, %mul3A_183 : i32
      %add3A_185 = arith.addi %mul3A_2, %mul3A_184 : i32
      %dma_start3A_186 = arith.constant 0 : i32
      %dma_start3A_187 = tpu.memref_slice %arg6[%add3A_185, %dma_start3A_186] : memref<705024x128xf32, #tpu.memory_space<hbm>> -> memref<256x128xf32, #tpu.memory_space<hbm>>
      %dma_start3A_188 = arith.constant 0 : i32
      %dma_start3A_189 = tpu.memref_slice %arg6[%add3A_185, %dma_start3A_188] : memref<705024x128xf32, #tpu.memory_space<hbm>> -> memref<256x128xf32, #tpu.memory_space<hbm>>
      tpu.enqueue_dma source(%arg10 : memref<256x128xf32, #tpu.memory_space<vmem>>) target(%dma_start3A_189 : memref<256x128xf32, #tpu.memory_space<hbm>>) target_semaphore(%arg13 : memref<!tpu.dma_semaphore, #tpu.memory_space<semaphore_mem>>)
      %mul3A_190 = arith.constant 8 : i32
      %mul3A_191 = arith.muli %scan3A_122, %mul3A_190 : i32
      %add3A_192 = arith.constant 6 : i32
      %add3A_193 = arith.addi %mul3A_191, %add3A_192 : i32
      %mul3A_194 = arith.constant 256 : i32
      %mul3A_195 = arith.muli %add3A_193, %mul3A_194 : i32
      %add3A_196 = arith.addi %mul3A_2, %mul3A_195 : i32
      %dma_start3A_197 = arith.constant 0 : i32
      %dma_start3A_198 = tpu.memref_slice %arg6[%add3A_196, %dma_start3A_197] : memref<705024x128xf32, #tpu.memory_space<hbm>> -> memref<256x128xf32, #tpu.memory_space<hbm>>
      %dma_start3A_199 = arith.constant 0 : i32
      %dma_start3A_200 = tpu.memref_slice %arg6[%add3A_196, %dma_start3A_199] : memref<705024x128xf32, #tpu.memory_space<hbm>> -> memref<256x128xf32, #tpu.memory_space<hbm>>
      tpu.enqueue_dma source(%arg10 : memref<256x128xf32, #tpu.memory_space<vmem>>) target(%dma_start3A_200 : memref<256x128xf32, #tpu.memory_space<hbm>>) target_semaphore(%arg13 : memref<!tpu.dma_semaphore, #tpu.memory_space<semaphore_mem>>)
      %mul3A_201 = arith.constant 8 : i32
      %mul3A_202 = arith.muli %scan3A_122, %mul3A_201 : i32
      %add3A_203 = arith.constant 7 : i32
      %add3A_204 = arith.addi %mul3A_202, %add3A_203 : i32
      %mul3A_205 = arith.constant 256 : i32
      %mul3A_206 = arith.muli %add3A_204, %mul3A_205 : i32
      %add3A_207 = arith.addi %mul3A_2, %mul3A_206 : i32
      %dma_start3A_208 = arith.constant 0 : i32
      %dma_start3A_209 = tpu.memref_slice %arg6[%add3A_207, %dma_start3A_208] : memref<705024x128xf32, #tpu.memory_space<hbm>> -> memref<256x128xf32, #tpu.memory_space<hbm>>
      %dma_start3A_210 = arith.constant 0 : i32
      %dma_start3A_211 = tpu.memref_slice %arg6[%add3A_207, %dma_start3A_210] : memref<705024x128xf32, #tpu.memory_space<hbm>> -> memref<256x128xf32, #tpu.memory_space<hbm>>
      tpu.enqueue_dma source(%arg10 : memref<256x128xf32, #tpu.memory_space<vmem>>) target(%dma_start3A_211 : memref<256x128xf32, #tpu.memory_space<hbm>>) target_semaphore(%arg13 : memref<!tpu.dma_semaphore, #tpu.memory_space<semaphore_mem>>)
      %dma_wait3A_212 = arith.constant 0 : i32
      %dma_wait3A_213 = tpu.memref_slice %arg6[%add3A_130, %dma_wait3A_212] : memref<705024x128xf32, #tpu.memory_space<hbm>> -> memref<256x128xf32, #tpu.memory_space<hbm>>
      %dma_wait3A_214 = arith.constant 0 : i32
      %dma_wait3A_215 = tpu.memref_slice %arg6[%add3A_130, %dma_wait3A_214] : memref<705024x128xf32, #tpu.memory_space<hbm>> -> memref<256x128xf32, #tpu.memory_space<hbm>>
      tpu.wait_dma2 semaphore(%arg13 : memref<!tpu.dma_semaphore, #tpu.memory_space<semaphore_mem>>) src(%arg10 : memref<256x128xf32, #tpu.memory_space<vmem>>) dst(%dma_wait3A_215 : memref<256x128xf32, #tpu.memory_space<hbm>>)
      %dma_wait3A_216 = arith.constant 0 : i32
      %dma_wait3A_217 = tpu.memref_slice %arg6[%add3A_141, %dma_wait3A_216] : memref<705024x128xf32, #tpu.memory_space<hbm>> -> memref<256x128xf32, #tpu.memory_space<hbm>>
      %dma_wait3A_218 = arith.constant 0 : i32
      %dma_wait3A_219 = tpu.memref_slice %arg6[%add3A_141, %dma_wait3A_218] : memref<705024x128xf32, #tpu.memory_space<hbm>> -> memref<256x128xf32, #tpu.memory_space<hbm>>
      tpu.wait_dma2 semaphore(%arg13 : memref<!tpu.dma_semaphore, #tpu.memory_space<semaphore_mem>>) src(%arg10 : memref<256x128xf32, #tpu.memory_space<vmem>>) dst(%dma_wait3A_219 : memref<256x128xf32, #tpu.memory_space<hbm>>)
      %dma_wait3A_220 = arith.constant 0 : i32
      %dma_wait3A_221 = tpu.memref_slice %arg6[%add3A_152, %dma_wait3A_220] : memref<705024x128xf32, #tpu.memory_space<hbm>> -> memref<256x128xf32, #tpu.memory_space<hbm>>
      %dma_wait3A_222 = arith.constant 0 : i32
      %dma_wait3A_223 = tpu.memref_slice %arg6[%add3A_152, %dma_wait3A_222] : memref<705024x128xf32, #tpu.memory_space<hbm>> -> memref<256x128xf32, #tpu.memory_space<hbm>>
      tpu.wait_dma2 semaphore(%arg13 : memref<!tpu.dma_semaphore, #tpu.memory_space<semaphore_mem>>) src(%arg10 : memref<256x128xf32, #tpu.memory_space<vmem>>) dst(%dma_wait3A_223 : memref<256x128xf32, #tpu.memory_space<hbm>>)
      %dma_wait3A_224 = arith.constant 0 : i32
      %dma_wait3A_225 = tpu.memref_slice %arg6[%add3A_163, %dma_wait3A_224] : memref<705024x128xf32, #tpu.memory_space<hbm>> -> memref<256x128xf32, #tpu.memory_space<hbm>>
      %dma_wait3A_226 = arith.constant 0 : i32
      %dma_wait3A_227 = tpu.memref_slice %arg6[%add3A_163, %dma_wait3A_226] : memref<705024x128xf32, #tpu.memory_space<hbm>> -> memref<256x128xf32, #tpu.memory_space<hbm>>
      tpu.wait_dma2 semaphore(%arg13 : memref<!tpu.dma_semaphore, #tpu.memory_space<semaphore_mem>>) src(%arg10 : memref<256x128xf32, #tpu.memory_space<vmem>>) dst(%dma_wait3A_227 : memref<256x128xf32, #tpu.memory_space<hbm>>)
      %dma_wait3A_228 = arith.constant 0 : i32
      %dma_wait3A_229 = tpu.memref_slice %arg6[%add3A_174, %dma_wait3A_228] : memref<705024x128xf32, #tpu.memory_space<hbm>> -> memref<256x128xf32, #tpu.memory_space<hbm>>
      %dma_wait3A_230 = arith.constant 0 : i32
      %dma_wait3A_231 = tpu.memref_slice %arg6[%add3A_174, %dma_wait3A_230] : memref<705024x128xf32, #tpu.memory_space<hbm>> -> memref<256x128xf32, #tpu.memory_space<hbm>>
      tpu.wait_dma2 semaphore(%arg13 : memref<!tpu.dma_semaphore, #tpu.memory_space<semaphore_mem>>) src(%arg10 : memref<256x128xf32, #tpu.memory_space<vmem>>) dst(%dma_wait3A_231 : memref<256x128xf32, #tpu.memory_space<hbm>>)
      %dma_wait3A_232 = arith.constant 0 : i32
      %dma_wait3A_233 = tpu.memref_slice %arg6[%add3A_185, %dma_wait3A_232] : memref<705024x128xf32, #tpu.memory_space<hbm>> -> memref<256x128xf32, #tpu.memory_space<hbm>>
      %dma_wait3A_234 = arith.constant 0 : i32
      %dma_wait3A_235 = tpu.memref_slice %arg6[%add3A_185, %dma_wait3A_234] : memref<705024x128xf32, #tpu.memory_space<hbm>> -> memref<256x128xf32, #tpu.memory_space<hbm>>
      tpu.wait_dma2 semaphore(%arg13 : memref<!tpu.dma_semaphore, #tpu.memory_space<semaphore_mem>>) src(%arg10 : memref<256x128xf32, #tpu.memory_space<vmem>>) dst(%dma_wait3A_235 : memref<256x128xf32, #tpu.memory_space<hbm>>)
      %dma_wait3A_236 = arith.constant 0 : i32
      %dma_wait3A_237 = tpu.memref_slice %arg6[%add3A_196, %dma_wait3A_236] : memref<705024x128xf32, #tpu.memory_space<hbm>> -> memref<256x128xf32, #tpu.memory_space<hbm>>
      %dma_wait3A_238 = arith.constant 0 : i32
      %dma_wait3A_239 = tpu.memref_slice %arg6[%add3A_196, %dma_wait3A_238] : memref<705024x128xf32, #tpu.memory_space<hbm>> -> memref<256x128xf32, #tpu.memory_space<hbm>>
      tpu.wait_dma2 semaphore(%arg13 : memref<!tpu.dma_semaphore, #tpu.memory_space<semaphore_mem>>) src(%arg10 : memref<256x128xf32, #tpu.memory_space<vmem>>) dst(%dma_wait3A_239 : memref<256x128xf32, #tpu.memory_space<hbm>>)
      %dma_wait3A_240 = arith.constant 0 : i32
      %dma_wait3A_241 = tpu.memref_slice %arg6[%add3A_207, %dma_wait3A_240] : memref<705024x128xf32, #tpu.memory_space<hbm>> -> memref<256x128xf32, #tpu.memory_space<hbm>>
      %dma_wait3A_242 = arith.constant 0 : i32
      %dma_wait3A_243 = tpu.memref_slice %arg6[%add3A_207, %dma_wait3A_242] : memref<705024x128xf32, #tpu.memory_space<hbm>> -> memref<256x128xf32, #tpu.memory_space<hbm>>
      tpu.wait_dma2 semaphore(%arg13 : memref<!tpu.dma_semaphore, #tpu.memory_space<semaphore_mem>>) src(%arg10 : memref<256x128xf32, #tpu.memory_space<vmem>>) dst(%dma_wait3A_243 : memref<256x128xf32, #tpu.memory_space<hbm>>)
      %scan3A_244 = arith.constant 0 : i32
      scf.yield %scan3A_244 : i32
    }
    %scan3A_8 = arith.constant 10 : i32
    %add3A_9 = arith.constant 20480 : i32
    %add3A_10 = arith.addi %mul3A_2, %add3A_9 : i32
    %dma_start3A = arith.constant 0 : i32
    %dma_start3A_11 = tpu.memref_slice %arg6[%add3A_10, %dma_start3A] : memref<705024x128xf32, #tpu.memory_space<hbm>> -> memref<256x128xf32, #tpu.memory_space<hbm>>
    %dma_start3A_12 = arith.constant 0 : i32
    %dma_start3A_13 = tpu.memref_slice %arg6[%add3A_10, %dma_start3A_12] : memref<705024x128xf32, #tpu.memory_space<hbm>> -> memref<256x128xf32, #tpu.memory_space<hbm>>
    tpu.enqueue_dma source(%arg10 : memref<256x128xf32, #tpu.memory_space<vmem>>) target(%dma_start3A_13 : memref<256x128xf32, #tpu.memory_space<hbm>>) target_semaphore(%arg13 : memref<!tpu.dma_semaphore, #tpu.memory_space<semaphore_mem>>)
    %add3A_14 = arith.constant 20736 : i32
    %add3A_15 = arith.addi %mul3A_2, %add3A_14 : i32
    %dma_start3A_16 = arith.constant 0 : i32
    %dma_start3A_17 = tpu.memref_slice %arg6[%add3A_15, %dma_start3A_16] : memref<705024x128xf32, #tpu.memory_space<hbm>> -> memref<256x128xf32, #tpu.memory_space<hbm>>
    %dma_start3A_18 = arith.constant 0 : i32
    %dma_start3A_19 = tpu.memref_slice %arg6[%add3A_15, %dma_start3A_18] : memref<705024x128xf32, #tpu.memory_space<hbm>> -> memref<256x128xf32, #tpu.memory_space<hbm>>
    tpu.enqueue_dma source(%arg10 : memref<256x128xf32, #tpu.memory_space<vmem>>) target(%dma_start3A_19 : memref<256x128xf32, #tpu.memory_space<hbm>>) target_semaphore(%arg13 : memref<!tpu.dma_semaphore, #tpu.memory_space<semaphore_mem>>)
    %add3A_20 = arith.constant 20992 : i32
    %add3A_21 = arith.addi %mul3A_2, %add3A_20 : i32
    %dma_start3A_22 = arith.constant 0 : i32
    %dma_start3A_23 = tpu.memref_slice %arg6[%add3A_21, %dma_start3A_22] : memref<705024x128xf32, #tpu.memory_space<hbm>> -> memref<256x128xf32, #tpu.memory_space<hbm>>
    %dma_start3A_24 = arith.constant 0 : i32
    %dma_start3A_25 = tpu.memref_slice %arg6[%add3A_21, %dma_start3A_24] : memref<705024x128xf32, #tpu.memory_space<hbm>> -> memref<256x128xf32, #tpu.memory_space<hbm>>
    tpu.enqueue_dma source(%arg10 : memref<256x128xf32, #tpu.memory_space<vmem>>) target(%dma_start3A_25 : memref<256x128xf32, #tpu.memory_space<hbm>>) target_semaphore(%arg13 : memref<!tpu.dma_semaphore, #tpu.memory_space<semaphore_mem>>)
    %add3A_26 = arith.constant 21248 : i32
    %add3A_27 = arith.addi %mul3A_2, %add3A_26 : i32
    %dma_start3A_28 = arith.constant 0 : i32
    %dma_start3A_29 = tpu.memref_slice %arg6[%add3A_27, %dma_start3A_28] : memref<705024x128xf32, #tpu.memory_space<hbm>> -> memref<256x128xf32, #tpu.memory_space<hbm>>
    %dma_start3A_30 = arith.constant 0 : i32
    %dma_start3A_31 = tpu.memref_slice %arg6[%add3A_27, %dma_start3A_30] : memref<705024x128xf32, #tpu.memory_space<hbm>> -> memref<256x128xf32, #tpu.memory_space<hbm>>
    tpu.enqueue_dma source(%arg10 : memref<256x128xf32, #tpu.memory_space<vmem>>) target(%dma_start3A_31 : memref<256x128xf32, #tpu.memory_space<hbm>>) target_semaphore(%arg13 : memref<!tpu.dma_semaphore, #tpu.memory_space<semaphore_mem>>)
    %add3A_32 = arith.constant 21504 : i32
    %add3A_33 = arith.addi %mul3A_2, %add3A_32 : i32
    %dma_start3A_34 = arith.constant 0 : i32
    %dma_start3A_35 = tpu.memref_slice %arg6[%add3A_33, %dma_start3A_34] : memref<705024x128xf32, #tpu.memory_space<hbm>> -> memref<256x128xf32, #tpu.memory_space<hbm>>
    %dma_start3A_36 = arith.constant 0 : i32
    %dma_start3A_37 = tpu.memref_slice %arg6[%add3A_33, %dma_start3A_36] : memref<705024x128xf32, #tpu.memory_space<hbm>> -> memref<256x128xf32, #tpu.memory_space<hbm>>
    tpu.enqueue_dma source(%arg10 : memref<256x128xf32, #tpu.memory_space<vmem>>) target(%dma_start3A_37 : memref<256x128xf32, #tpu.memory_space<hbm>>) target_semaphore(%arg13 : memref<!tpu.dma_semaphore, #tpu.memory_space<semaphore_mem>>)
    %add3A_38 = arith.constant 21760 : i32
    %add3A_39 = arith.addi %mul3A_2, %add3A_38 : i32
    %dma_start3A_40 = arith.constant 0 : i32
    %dma_start3A_41 = tpu.memref_slice %arg6[%add3A_39, %dma_start3A_40] : memref<705024x128xf32, #tpu.memory_space<hbm>> -> memref<256x128xf32, #tpu.memory_space<hbm>>
    %dma_start3A_42 = arith.constant 0 : i32
    %dma_start3A_43 = tpu.memref_slice %arg6[%add3A_39, %dma_start3A_42] : memref<705024x128xf32, #tpu.memory_space<hbm>> -> memref<256x128xf32, #tpu.memory_space<hbm>>
    tpu.enqueue_dma source(%arg10 : memref<256x128xf32, #tpu.memory_space<vmem>>) target(%dma_start3A_43 : memref<256x128xf32, #tpu.memory_space<hbm>>) target_semaphore(%arg13 : memref<!tpu.dma_semaphore, #tpu.memory_space<semaphore_mem>>)
    %add3A_44 = arith.constant 22016 : i32
    %add3A_45 = arith.addi %mul3A_2, %add3A_44 : i32
    %dma_start3A_46 = arith.constant 0 : i32
    %dma_start3A_47 = arith.constant 0 : i32
    %dma_start3A_48 = tpu.memref_slice %arg10[%dma_start3A_46, %dma_start3A_47] : memref<256x128xf32, #tpu.memory_space<vmem>> -> memref<16x128xf32, #tpu.memory_space<vmem>>
    %dma_start3A_49 = arith.constant 0 : i32
    %dma_start3A_50 = tpu.memref_slice %arg6[%add3A_45, %dma_start3A_49] : memref<705024x128xf32, #tpu.memory_space<hbm>> -> memref<16x128xf32, #tpu.memory_space<hbm>>
    %dma_start3A_51 = arith.constant 0 : i32
    %dma_start3A_52 = tpu.memref_slice %arg6[%add3A_45, %dma_start3A_51] : memref<705024x128xf32, #tpu.memory_space<hbm>> -> memref<16x128xf32, #tpu.memory_space<hbm>>
    %dma_start3A_53 = arith.constant 0 : i32
    %dma_start3A_54 = arith.constant 0 : i32
    %dma_start3A_55 = tpu.memref_slice %arg10[%dma_start3A_53, %dma_start3A_54] : memref<256x128xf32, #tpu.memory_space<vmem>> -> memref<16x128xf32, #tpu.memory_space<vmem>>
    tpu.enqueue_dma source(%dma_start3A_55 : memref<16x128xf32, #tpu.memory_space<vmem>>) target(%dma_start3A_52 : memref<16x128xf32, #tpu.memory_space<hbm>>) target_semaphore(%arg13 : memref<!tpu.dma_semaphore, #tpu.memory_space<semaphore_mem>>)
    %dma_wait3A = arith.constant 0 : i32
    %dma_wait3A_56 = tpu.memref_slice %arg6[%add3A_10, %dma_wait3A] : memref<705024x128xf32, #tpu.memory_space<hbm>> -> memref<256x128xf32, #tpu.memory_space<hbm>>
    %dma_wait3A_57 = arith.constant 0 : i32
    %dma_wait3A_58 = tpu.memref_slice %arg6[%add3A_10, %dma_wait3A_57] : memref<705024x128xf32, #tpu.memory_space<hbm>> -> memref<256x128xf32, #tpu.memory_space<hbm>>
    tpu.wait_dma2 semaphore(%arg13 : memref<!tpu.dma_semaphore, #tpu.memory_space<semaphore_mem>>) src(%arg10 : memref<256x128xf32, #tpu.memory_space<vmem>>) dst(%dma_wait3A_58 : memref<256x128xf32, #tpu.memory_space<hbm>>)
    %dma_wait3A_59 = arith.constant 0 : i32
    %dma_wait3A_60 = tpu.memref_slice %arg6[%add3A_15, %dma_wait3A_59] : memref<705024x128xf32, #tpu.memory_space<hbm>> -> memref<256x128xf32, #tpu.memory_space<hbm>>
    %dma_wait3A_61 = arith.constant 0 : i32
    %dma_wait3A_62 = tpu.memref_slice %arg6[%add3A_15, %dma_wait3A_61] : memref<705024x128xf32, #tpu.memory_space<hbm>> -> memref<256x128xf32, #tpu.memory_space<hbm>>
    tpu.wait_dma2 semaphore(%arg13 : memref<!tpu.dma_semaphore, #tpu.memory_space<semaphore_mem>>) src(%arg10 : memref<256x128xf32, #tpu.memory_space<vmem>>) dst(%dma_wait3A_62 : memref<256x128xf32, #tpu.memory_space<hbm>>)
    %dma_wait3A_63 = arith.constant 0 : i32
    %dma_wait3A_64 = tpu.memref_slice %arg6[%add3A_21, %dma_wait3A_63] : memref<705024x128xf32, #tpu.memory_space<hbm>> -> memref<256x128xf32, #tpu.memory_space<hbm>>
    %dma_wait3A_65 = arith.constant 0 : i32
    %dma_wait3A_66 = tpu.memref_slice %arg6[%add3A_21, %dma_wait3A_65] : memref<705024x128xf32, #tpu.memory_space<hbm>> -> memref<256x128xf32, #tpu.memory_space<hbm>>
    tpu.wait_dma2 semaphore(%arg13 : memref<!tpu.dma_semaphore, #tpu.memory_space<semaphore_mem>>) src(%arg10 : memref<256x128xf32, #tpu.memory_space<vmem>>) dst(%dma_wait3A_66 : memref<256x128xf32, #tpu.memory_space<hbm>>)
    %dma_wait3A_67 = arith.constant 0 : i32
    %dma_wait3A_68 = tpu.memref_slice %arg6[%add3A_27, %dma_wait3A_67] : memref<705024x128xf32, #tpu.memory_space<hbm>> -> memref<256x128xf32, #tpu.memory_space<hbm>>
    %dma_wait3A_69 = arith.constant 0 : i32
    %dma_wait3A_70 = tpu.memref_slice %arg6[%add3A_27, %dma_wait3A_69] : memref<705024x128xf32, #tpu.memory_space<hbm>> -> memref<256x128xf32, #tpu.memory_space<hbm>>
    tpu.wait_dma2 semaphore(%arg13 : memref<!tpu.dma_semaphore, #tpu.memory_space<semaphore_mem>>) src(%arg10 : memref<256x128xf32, #tpu.memory_space<vmem>>) dst(%dma_wait3A_70 : memref<256x128xf32, #tpu.memory_space<hbm>>)
    %dma_wait3A_71 = arith.constant 0 : i32
    %dma_wait3A_72 = tpu.memref_slice %arg6[%add3A_33, %dma_wait3A_71] : memref<705024x128xf32, #tpu.memory_space<hbm>> -> memref<256x128xf32, #tpu.memory_space<hbm>>
    %dma_wait3A_73 = arith.constant 0 : i32
    %dma_wait3A_74 = tpu.memref_slice %arg6[%add3A_33, %dma_wait3A_73] : memref<705024x128xf32, #tpu.memory_space<hbm>> -> memref<256x128xf32, #tpu.memory_space<hbm>>
    tpu.wait_dma2 semaphore(%arg13 : memref<!tpu.dma_semaphore, #tpu.memory_space<semaphore_mem>>) src(%arg10 : memref<256x128xf32, #tpu.memory_space<vmem>>) dst(%dma_wait3A_74 : memref<256x128xf32, #tpu.memory_space<hbm>>)
    %dma_wait3A_75 = arith.constant 0 : i32
    %dma_wait3A_76 = tpu.memref_slice %arg6[%add3A_39, %dma_wait3A_75] : memref<705024x128xf32, #tpu.memory_space<hbm>> -> memref<256x128xf32, #tpu.memory_space<hbm>>
    %dma_wait3A_77 = arith.constant 0 : i32
    %dma_wait3A_78 = tpu.memref_slice %arg6[%add3A_39, %dma_wait3A_77] : memref<705024x128xf32, #tpu.memory_space<hbm>> -> memref<256x128xf32, #tpu.memory_space<hbm>>
    tpu.wait_dma2 semaphore(%arg13 : memref<!tpu.dma_semaphore, #tpu.memory_space<semaphore_mem>>) src(%arg10 : memref<256x128xf32, #tpu.memory_space<vmem>>) dst(%dma_wait3A_78 : memref<256x128xf32, #tpu.memory_space<hbm>>)
    %dma_wait3A_79 = arith.constant 0 : i32
    %dma_wait3A_80 = arith.constant 0 : i32
    %dma_wait3A_81 = tpu.memref_slice %arg10[%dma_wait3A_79, %dma_wait3A_80] : memref<256x128xf32, #tpu.memory_space<vmem>> -> memref<16x128xf32, #tpu.memory_space<vmem>>
    %dma_wait3A_82 = arith.constant 0 : i32
    %dma_wait3A_83 = tpu.memref_slice %arg6[%add3A_45, %dma_wait3A_82] : memref<705024x128xf32, #tpu.memory_space<hbm>> -> memref<16x128xf32, #tpu.memory_space<hbm>>
    %dma_wait3A_84 = arith.constant 0 : i32
    %dma_wait3A_85 = tpu.memref_slice %arg6[%add3A_45, %dma_wait3A_84] : memref<705024x128xf32, #tpu.memory_space<hbm>> -> memref<16x128xf32, #tpu.memory_space<hbm>>
    %dma_wait3A_86 = arith.constant 0 : i32
    %dma_wait3A_87 = arith.constant 0 : i32
    %dma_wait3A_88 = tpu.memref_slice %arg10[%dma_wait3A_86, %dma_wait3A_87] : memref<256x128xf32, #tpu.memory_space<vmem>> -> memref<16x128xf32, #tpu.memory_space<vmem>>
    tpu.wait_dma2 semaphore(%arg13 : memref<!tpu.dma_semaphore, #tpu.memory_space<semaphore_mem>>) src(%dma_wait3A_88 : memref<16x128xf32, #tpu.memory_space<vmem>>) dst(%dma_wait3A_85 : memref<16x128xf32, #tpu.memory_space<hbm>>)
    %barrier3A = arith.constant 0 : index
    tpu.barrier barrier_id(%barrier3A)
    %sub3A = arith.constant 161 : i32
    %sub3A_89 = arith.subi %sub3A, %arg1 : i32
    %add3A_90 = arith.constant 16 : i32
    %add3A_91 = arith.addi %sub3A_89, %add3A_90 : i32
    %sub3A_92 = arith.constant 1 : i32
    %sub3A_93 = arith.subi %add3A_91, %sub3A_92 : i32
    %jit3A = arith.constant 16 : i32
    %div3A = arith.divsi %sub3A_93, %jit3A : i32
    %sign3A = arith.constant 0 : i32
    %sign3A_94 = arith.cmpi sgt, %sub3A_93, %sign3A : i32
    %sign3A_95 = arith.extui %sign3A_94 : i1 to i32
    %sign3A_96 = arith.constant 0 : i32
    %sign3A_97 = arith.cmpi slt, %sub3A_93, %sign3A_96 : i32
    %sign3A_98 = arith.extui %sign3A_97 : i1 to i32
    %sign3A_99 = arith.subi %sign3A_95, %sign3A_98 : i32
    %sign3A_100 = arith.constant 0 : i32
    %sign3A_101 = arith.cmpi sgt, %jit3A, %sign3A_100 : i32
    %sign3A_102 = arith.extui %sign3A_101 : i1 to i32
    %sign3A_103 = arith.constant 0 : i32
    %sign3A_104 = arith.cmpi slt, %jit3A, %sign3A_103 : i32
    %sign3A_105 = arith.extui %sign3A_104 : i1 to i32
    %sign3A_106 = arith.subi %sign3A_102, %sign3A_105 : i32
    %ne3A = arith.cmpi ne, %sign3A_99, %sign3A_106 : i32
    %rem3A = arith.remsi %sub3A_93, %jit3A : i32
    %ne3A_107 = arith.constant 0 : i32
    %ne3A_108 = arith.cmpi ne, %rem3A, %ne3A_107 : i32
    %and3A = arith.andi %ne3A, %ne3A_108 : i1
    %sub3A_109 = arith.constant 1 : i32
    %sub3A_110 = arith.subi %div3A, %sub3A_109 : i32
    %select_n3A = arith.select %and3A, %sub3A_110, %div3A : i32
    %while3A = arith.constant 0 : i32
    %while3A_111 = arith.constant 0 : i32
    %while3A_112 = arith.subi %select_n3A, %while3A : i32
    %while3A_113 = arith.addi %while3A, %while3A_112 : i32
    %while3A_114 = arith.constant 1 : i32
    %while3A_115 = arith.divsi %while3A_112, %while3A_114 : i32
    %while3A_116 = arith.muli %while3A_115, %while3A_114 : i32
    %while3A_117 = arith.addi %while3A, %while3A_116 : i32
    %while3A_118 = arith.constant 1 : i32
    %while3A_119 = scf.for %while3A_122 = %while3A to %while3A_117 step %while3A_118 iter_args(%while3A_123 = %while3A_111) -> (i32)  : i32 {
      %mul3A_124 = arith.constant 16 : i32
      %mul3A_125 = arith.muli %while3A_122, %mul3A_124 : i32
      %add3A_126 = arith.addi %arg1, %mul3A_125 : i32
      %mul3A_127 = arith.constant 644 : i32
      %mul3A_128 = arith.muli %arg0, %mul3A_127 : i32
      %mul3A_129 = arith.constant 4 : i32
      %mul3A_130 = arith.muli %add3A_126, %mul3A_129 : i32
      %add3A_131 = arith.addi %mul3A_128, %mul3A_130 : i32
      "tpu.region"() ({
        %run_scoped3A = tpu.sem_alloc : memref<!tpu.dma_semaphore, #tpu.memory_space<semaphore_mem>>
        %dma_start3A_293 = arith.constant 0 : i32
        %dma_start3A_294 = tpu.memref_slice %arg3[%add3A_131, %dma_start3A_293] : memref<1288x128xi32, #tpu.memory_space<hbm>> -> memref<4x128xi32, #tpu.memory_space<hbm>>
        %dma_start3A_295 = arith.constant 0 : i32
        %dma_start3A_296 = tpu.memref_slice %arg3[%add3A_131, %dma_start3A_295] : memref<1288x128xi32, #tpu.memory_space<hbm>> -> memref<4x128xi32, #tpu.memory_space<hbm>>
        tpu.enqueue_dma source(%dma_start3A_296 : memref<4x128xi32, #tpu.memory_space<hbm>>) target(%arg7 : memref<4x128xi32, #tpu.memory_space<vmem>>) target_semaphore(%run_scoped3A : memref<!tpu.dma_semaphore, #tpu.memory_space<semaphore_mem>>)
        %dma_wait3A_297 = arith.constant 0 : i32
        %dma_wait3A_298 = tpu.memref_slice %arg3[%add3A_131, %dma_wait3A_297] : memref<1288x128xi32, #tpu.memory_space<hbm>> -> memref<4x128xi32, #tpu.memory_space<hbm>>
        %dma_wait3A_299 = arith.constant 0 : i32
        %dma_wait3A_300 = tpu.memref_slice %arg3[%add3A_131, %dma_wait3A_299] : memref<1288x128xi32, #tpu.memory_space<hbm>> -> memref<4x128xi32, #tpu.memory_space<hbm>>
        tpu.wait_dma2 semaphore(%run_scoped3A : memref<!tpu.dma_semaphore, #tpu.memory_space<semaphore_mem>>) src(%dma_wait3A_300 : memref<4x128xi32, #tpu.memory_space<hbm>>) dst(%arg7 : memref<4x128xi32, #tpu.memory_space<vmem>>)
        tpu.yield
      }) : () -> ()
      "tpu.region"() ({
        %run_scoped3A = tpu.sem_alloc : memref<!tpu.dma_semaphore, #tpu.memory_space<semaphore_mem>>
        %dma_start3A_293 = arith.constant 0 : i32
        %dma_start3A_294 = tpu.memref_slice %arg4[%add3A_131, %dma_start3A_293] : memref<1288x128xi32, #tpu.memory_space<hbm>> -> memref<4x128xi32, #tpu.memory_space<hbm>>
        %dma_start3A_295 = arith.constant 0 : i32
        %dma_start3A_296 = tpu.memref_slice %arg4[%add3A_131, %dma_start3A_295] : memref<1288x128xi32, #tpu.memory_space<hbm>> -> memref<4x128xi32, #tpu.memory_space<hbm>>
        tpu.enqueue_dma source(%dma_start3A_296 : memref<4x128xi32, #tpu.memory_space<hbm>>) target(%arg8 : memref<4x128xi32, #tpu.memory_space<vmem>>) target_semaphore(%run_scoped3A : memref<!tpu.dma_semaphore, #tpu.memory_space<semaphore_mem>>)
        %dma_wait3A_297 = arith.constant 0 : i32
        %dma_wait3A_298 = tpu.memref_slice %arg4[%add3A_131, %dma_wait3A_297] : memref<1288x128xi32, #tpu.memory_space<hbm>> -> memref<4x128xi32, #tpu.memory_space<hbm>>
        %dma_wait3A_299 = arith.constant 0 : i32
        %dma_wait3A_300 = tpu.memref_slice %arg4[%add3A_131, %dma_wait3A_299] : memref<1288x128xi32, #tpu.memory_space<hbm>> -> memref<4x128xi32, #tpu.memory_space<hbm>>
        tpu.wait_dma2 semaphore(%run_scoped3A : memref<!tpu.dma_semaphore, #tpu.memory_space<semaphore_mem>>) src(%dma_wait3A_300 : memref<4x128xi32, #tpu.memory_space<hbm>>) dst(%arg8 : memref<4x128xi32, #tpu.memory_space<vmem>>)
        tpu.yield
      }) : () -> ()
      %dma_start3A_132 = arith.constant 0 : i32
      %dma_start3A_133 = arith.constant 0 : i32
      %dma_start3A_134 = arith.constant 0 : i32
      %dma_start3A_135 = tpu.memref_slice %arg9[%dma_start3A_133, %dma_start3A_134] : memref<512x128xf32, #tpu.memory_space<vmem>> -> memref<128x128xf32, #tpu.memory_space<vmem>>
      %dma_start3A_136 = arith.constant 0 : i32
      %dma_start3A_137 = tpu.memref_slice %arg7[%dma_start3A_132, %dma_start3A_136] : memref<4x128xi32, #tpu.memory_space<vmem>> -> memref<1x128xi32, #tpu.memory_space<vmem>>
      %dma_start3A_138 = tpu.memref_squeeze %dma_start3A_137 : memref<1x128xi32, #tpu.memory_space<vmem>> -> memref<128xi32, #tpu.memory_space<vmem>>
      %dma_start3A_139 = arith.constant 0 : i32
      %dma_start3A_140 = arith.constant 0 : i32
      %dma_start3A_141 = tpu.memref_slice %arg2[%dma_start3A_139, %dma_start3A_140] : memref<163848x128xf32, #tpu.memory_space<hbm>> -> memref<163848x128xf32, #tpu.memory_space<hbm>>
      tpu.enqueue_indirect_dma source(%dma_start3A_141 : memref<163848x128xf32, #tpu.memory_space<hbm>>) target(%dma_start3A_135 : memref<128x128xf32, #tpu.memory_space<vmem>>) offsets(%dma_start3A_138 : memref<128xi32, #tpu.memory_space<vmem>>) semaphore(%arg11 : memref<!tpu.dma_semaphore, #tpu.memory_space<semaphore_mem>>)
      %dma_start3A_142 = arith.constant 1 : i32
      %dma_start3A_143 = arith.constant 128 : i32
      %dma_start3A_144 = arith.constant 0 : i32
      %dma_start3A_145 = tpu.memref_slice %arg9[%dma_start3A_143, %dma_start3A_144] : memref<512x128xf32, #tpu.memory_space<vmem>> -> memref<128x128xf32, #tpu.memory_space<vmem>>
      %dma_start3A_146 = arith.constant 0 : i32
      %dma_start3A_147 = tpu.memref_slice %arg7[%dma_start3A_142, %dma_start3A_146] : memref<4x128xi32, #tpu.memory_space<vmem>> -> memref<1x128xi32, #tpu.memory_space<vmem>>
      %dma_start3A_148 = tpu.memref_squeeze %dma_start3A_147 : memref<1x128xi32, #tpu.memory_space<vmem>> -> memref<128xi32, #tpu.memory_space<vmem>>
      %dma_start3A_149 = arith.constant 0 : i32
      %dma_start3A_150 = arith.constant 0 : i32
      %dma_start3A_151 = tpu.memref_slice %arg2[%dma_start3A_149, %dma_start3A_150] : memref<163848x128xf32, #tpu.memory_space<hbm>> -> memref<163848x128xf32, #tpu.memory_space<hbm>>
      tpu.enqueue_indirect_dma source(%dma_start3A_151 : memref<163848x128xf32, #tpu.memory_space<hbm>>) target(%dma_start3A_145 : memref<128x128xf32, #tpu.memory_space<vmem>>) offsets(%dma_start3A_148 : memref<128xi32, #tpu.memory_space<vmem>>) semaphore(%arg11 : memref<!tpu.dma_semaphore, #tpu.memory_space<semaphore_mem>>)
      %dma_start3A_152 = arith.constant 2 : i32
      %dma_start3A_153 = arith.constant 256 : i32
      %dma_start3A_154 = arith.constant 0 : i32
      %dma_start3A_155 = tpu.memref_slice %arg9[%dma_start3A_153, %dma_start3A_154] : memref<512x128xf32, #tpu.memory_space<vmem>> -> memref<128x128xf32, #tpu.memory_space<vmem>>
      %dma_start3A_156 = arith.constant 0 : i32
      %dma_start3A_157 = tpu.memref_slice %arg7[%dma_start3A_152, %dma_start3A_156] : memref<4x128xi32, #tpu.memory_space<vmem>> -> memref<1x128xi32, #tpu.memory_space<vmem>>
      %dma_start3A_158 = tpu.memref_squeeze %dma_start3A_157 : memref<1x128xi32, #tpu.memory_space<vmem>> -> memref<128xi32, #tpu.memory_space<vmem>>
      %dma_start3A_159 = arith.constant 0 : i32
      %dma_start3A_160 = arith.constant 0 : i32
      %dma_start3A_161 = tpu.memref_slice %arg2[%dma_start3A_159, %dma_start3A_160] : memref<163848x128xf32, #tpu.memory_space<hbm>> -> memref<163848x128xf32, #tpu.memory_space<hbm>>
      tpu.enqueue_indirect_dma source(%dma_start3A_161 : memref<163848x128xf32, #tpu.memory_space<hbm>>) target(%dma_start3A_155 : memref<128x128xf32, #tpu.memory_space<vmem>>) offsets(%dma_start3A_158 : memref<128xi32, #tpu.memory_space<vmem>>) semaphore(%arg11 : memref<!tpu.dma_semaphore, #tpu.memory_space<semaphore_mem>>)
      %dma_start3A_162 = arith.constant 3 : i32
      %dma_start3A_163 = arith.constant 384 : i32
      %dma_start3A_164 = arith.constant 0 : i32
      %dma_start3A_165 = tpu.memref_slice %arg9[%dma_start3A_163, %dma_start3A_164] : memref<512x128xf32, #tpu.memory_space<vmem>> -> memref<128x128xf32, #tpu.memory_space<vmem>>
      %dma_start3A_166 = arith.constant 0 : i32
      %dma_start3A_167 = tpu.memref_slice %arg7[%dma_start3A_162, %dma_start3A_166] : memref<4x128xi32, #tpu.memory_space<vmem>> -> memref<1x128xi32, #tpu.memory_space<vmem>>
      %dma_start3A_168 = tpu.memref_squeeze %dma_start3A_167 : memref<1x128xi32, #tpu.memory_space<vmem>> -> memref<128xi32, #tpu.memory_space<vmem>>
      %dma_start3A_169 = arith.constant 0 : i32
      %dma_start3A_170 = arith.constant 0 : i32
      %dma_start3A_171 = tpu.memref_slice %arg2[%dma_start3A_169, %dma_start3A_170] : memref<163848x128xf32, #tpu.memory_space<hbm>> -> memref<163848x128xf32, #tpu.memory_space<hbm>>
      tpu.enqueue_indirect_dma source(%dma_start3A_171 : memref<163848x128xf32, #tpu.memory_space<hbm>>) target(%dma_start3A_165 : memref<128x128xf32, #tpu.memory_space<vmem>>) offsets(%dma_start3A_168 : memref<128xi32, #tpu.memory_space<vmem>>) semaphore(%arg11 : memref<!tpu.dma_semaphore, #tpu.memory_space<semaphore_mem>>)
      %dma_wait3A_172 = arith.constant 0 : i32
      %dma_wait3A_173 = arith.constant 0 : i32
      %dma_wait3A_174 = arith.constant 0 : i32
      %dma_wait3A_175 = tpu.memref_slice %arg9[%dma_wait3A_173, %dma_wait3A_174] : memref<512x128xf32, #tpu.memory_space<vmem>> -> memref<128x128xf32, #tpu.memory_space<vmem>>
      %dma_wait3A_176 = arith.constant 0 : i32
      %dma_wait3A_177 = tpu.memref_slice %arg7[%dma_wait3A_172, %dma_wait3A_176] : memref<4x128xi32, #tpu.memory_space<vmem>> -> memref<1x128xi32, #tpu.memory_space<vmem>>
      %dma_wait3A_178 = tpu.memref_squeeze %dma_wait3A_177 : memref<1x128xi32, #tpu.memory_space<vmem>> -> memref<128xi32, #tpu.memory_space<vmem>>
      %dma_wait3A_179 = arith.constant 0 : i32
      %dma_wait3A_180 = arith.constant 0 : i32
      %dma_wait3A_181 = tpu.memref_slice %arg2[%dma_wait3A_179, %dma_wait3A_180] : memref<163848x128xf32, #tpu.memory_space<hbm>> -> memref<163848x128xf32, #tpu.memory_space<hbm>>
      tpu.wait_indirect_dma semaphore(%arg11 : memref<!tpu.dma_semaphore, #tpu.memory_space<semaphore_mem>>) src(%dma_wait3A_181 : memref<163848x128xf32, #tpu.memory_space<hbm>>) dst(%dma_wait3A_175 : memref<128x128xf32, #tpu.memory_space<vmem>>)
      %dma_wait3A_182 = arith.constant 1 : i32
      %dma_wait3A_183 = arith.constant 128 : i32
      %dma_wait3A_184 = arith.constant 0 : i32
      %dma_wait3A_185 = tpu.memref_slice %arg9[%dma_wait3A_183, %dma_wait3A_184] : memref<512x128xf32, #tpu.memory_space<vmem>> -> memref<128x128xf32, #tpu.memory_space<vmem>>
      %dma_wait3A_186 = arith.constant 0 : i32
      %dma_wait3A_187 = tpu.memref_slice %arg7[%dma_wait3A_182, %dma_wait3A_186] : memref<4x128xi32, #tpu.memory_space<vmem>> -> memref<1x128xi32, #tpu.memory_space<vmem>>
      %dma_wait3A_188 = tpu.memref_squeeze %dma_wait3A_187 : memref<1x128xi32, #tpu.memory_space<vmem>> -> memref<128xi32, #tpu.memory_space<vmem>>
      %dma_wait3A_189 = arith.constant 0 : i32
      %dma_wait3A_190 = arith.constant 0 : i32
      %dma_wait3A_191 = tpu.memref_slice %arg2[%dma_wait3A_189, %dma_wait3A_190] : memref<163848x128xf32, #tpu.memory_space<hbm>> -> memref<163848x128xf32, #tpu.memory_space<hbm>>
      tpu.wait_indirect_dma semaphore(%arg11 : memref<!tpu.dma_semaphore, #tpu.memory_space<semaphore_mem>>) src(%dma_wait3A_191 : memref<163848x128xf32, #tpu.memory_space<hbm>>) dst(%dma_wait3A_185 : memref<128x128xf32, #tpu.memory_space<vmem>>)
      %dma_wait3A_192 = arith.constant 2 : i32
      %dma_wait3A_193 = arith.constant 256 : i32
      %dma_wait3A_194 = arith.constant 0 : i32
      %dma_wait3A_195 = tpu.memref_slice %arg9[%dma_wait3A_193, %dma_wait3A_194] : memref<512x128xf32, #tpu.memory_space<vmem>> -> memref<128x128xf32, #tpu.memory_space<vmem>>
      %dma_wait3A_196 = arith.constant 0 : i32
      %dma_wait3A_197 = tpu.memref_slice %arg7[%dma_wait3A_192, %dma_wait3A_196] : memref<4x128xi32, #tpu.memory_space<vmem>> -> memref<1x128xi32, #tpu.memory_space<vmem>>
      %dma_wait3A_198 = tpu.memref_squeeze %dma_wait3A_197 : memref<1x128xi32, #tpu.memory_space<vmem>> -> memref<128xi32, #tpu.memory_space<vmem>>
      %dma_wait3A_199 = arith.constant 0 : i32
      %dma_wait3A_200 = arith.constant 0 : i32
      %dma_wait3A_201 = tpu.memref_slice %arg2[%dma_wait3A_199, %dma_wait3A_200] : memref<163848x128xf32, #tpu.memory_space<hbm>> -> memref<163848x128xf32, #tpu.memory_space<hbm>>
      tpu.wait_indirect_dma semaphore(%arg11 : memref<!tpu.dma_semaphore, #tpu.memory_space<semaphore_mem>>) src(%dma_wait3A_201 : memref<163848x128xf32, #tpu.memory_space<hbm>>) dst(%dma_wait3A_195 : memref<128x128xf32, #tpu.memory_space<vmem>>)
      %dma_wait3A_202 = arith.constant 3 : i32
      %dma_wait3A_203 = arith.constant 384 : i32
      %dma_wait3A_204 = arith.constant 0 : i32
      %dma_wait3A_205 = tpu.memref_slice %arg9[%dma_wait3A_203, %dma_wait3A_204] : memref<512x128xf32, #tpu.memory_space<vmem>> -> memref<128x128xf32, #tpu.memory_space<vmem>>
      %dma_wait3A_206 = arith.constant 0 : i32
      %dma_wait3A_207 = tpu.memref_slice %arg7[%dma_wait3A_202, %dma_wait3A_206] : memref<4x128xi32, #tpu.memory_space<vmem>> -> memref<1x128xi32, #tpu.memory_space<vmem>>
      %dma_wait3A_208 = tpu.memref_squeeze %dma_wait3A_207 : memref<1x128xi32, #tpu.memory_space<vmem>> -> memref<128xi32, #tpu.memory_space<vmem>>
      %dma_wait3A_209 = arith.constant 0 : i32
      %dma_wait3A_210 = arith.constant 0 : i32
      %dma_wait3A_211 = tpu.memref_slice %arg2[%dma_wait3A_209, %dma_wait3A_210] : memref<163848x128xf32, #tpu.memory_space<hbm>> -> memref<163848x128xf32, #tpu.memory_space<hbm>>
      tpu.wait_indirect_dma semaphore(%arg11 : memref<!tpu.dma_semaphore, #tpu.memory_space<semaphore_mem>>) src(%dma_wait3A_211 : memref<163848x128xf32, #tpu.memory_space<hbm>>) dst(%dma_wait3A_205 : memref<128x128xf32, #tpu.memory_space<vmem>>)
      %dma_start3A_212 = arith.constant 0 : i32
      %dma_start3A_213 = arith.constant 0 : i32
      %dma_start3A_214 = arith.constant 0 : i32
      %dma_start3A_215 = tpu.memref_slice %arg9[%dma_start3A_213, %dma_start3A_214] : memref<512x128xf32, #tpu.memory_space<vmem>> -> memref<128x128xf32, #tpu.memory_space<vmem>>
      %dma_start3A_216 = arith.constant 0 : i32
      %dma_start3A_217 = tpu.memref_slice %arg8[%dma_start3A_212, %dma_start3A_216] : memref<4x128xi32, #tpu.memory_space<vmem>> -> memref<1x128xi32, #tpu.memory_space<vmem>>
      %dma_start3A_218 = tpu.memref_squeeze %dma_start3A_217 : memref<1x128xi32, #tpu.memory_space<vmem>> -> memref<128xi32, #tpu.memory_space<vmem>>
      %dma_start3A_219 = arith.constant 0 : i32
      %dma_start3A_220 = arith.constant 0 : i32
      %dma_start3A_221 = tpu.memref_slice %arg6[%dma_start3A_219, %dma_start3A_220] : memref<705024x128xf32, #tpu.memory_space<hbm>> -> memref<705024x128xf32, #tpu.memory_space<hbm>>
      tpu.enqueue_indirect_dma source(%dma_start3A_215 : memref<128x128xf32, #tpu.memory_space<vmem>>) target(%dma_start3A_221 : memref<705024x128xf32, #tpu.memory_space<hbm>>) offsets(%dma_start3A_218 : memref<128xi32, #tpu.memory_space<vmem>>) semaphore(%arg12 : memref<!tpu.dma_semaphore, #tpu.memory_space<semaphore_mem>>)
      %dma_start3A_222 = arith.constant 1 : i32
      %dma_start3A_223 = arith.constant 128 : i32
      %dma_start3A_224 = arith.constant 0 : i32
      %dma_start3A_225 = tpu.memref_slice %arg9[%dma_start3A_223, %dma_start3A_224] : memref<512x128xf32, #tpu.memory_space<vmem>> -> memref<128x128xf32, #tpu.memory_space<vmem>>
      %dma_start3A_226 = arith.constant 0 : i32
      %dma_start3A_227 = tpu.memref_slice %arg8[%dma_start3A_222, %dma_start3A_226] : memref<4x128xi32, #tpu.memory_space<vmem>> -> memref<1x128xi32, #tpu.memory_space<vmem>>
      %dma_start3A_228 = tpu.memref_squeeze %dma_start3A_227 : memref<1x128xi32, #tpu.memory_space<vmem>> -> memref<128xi32, #tpu.memory_space<vmem>>
      %dma_start3A_229 = arith.constant 0 : i32
      %dma_start3A_230 = arith.constant 0 : i32
      %dma_start3A_231 = tpu.memref_slice %arg6[%dma_start3A_229, %dma_start3A_230] : memref<705024x128xf32, #tpu.memory_space<hbm>> -> memref<705024x128xf32, #tpu.memory_space<hbm>>
      tpu.enqueue_indirect_dma source(%dma_start3A_225 : memref<128x128xf32, #tpu.memory_space<vmem>>) target(%dma_start3A_231 : memref<705024x128xf32, #tpu.memory_space<hbm>>) offsets(%dma_start3A_228 : memref<128xi32, #tpu.memory_space<vmem>>) semaphore(%arg12 : memref<!tpu.dma_semaphore, #tpu.memory_space<semaphore_mem>>)
      %dma_start3A_232 = arith.constant 2 : i32
      %dma_start3A_233 = arith.constant 256 : i32
      %dma_start3A_234 = arith.constant 0 : i32
      %dma_start3A_235 = tpu.memref_slice %arg9[%dma_start3A_233, %dma_start3A_234] : memref<512x128xf32, #tpu.memory_space<vmem>> -> memref<128x128xf32, #tpu.memory_space<vmem>>
      %dma_start3A_236 = arith.constant 0 : i32
      %dma_start3A_237 = tpu.memref_slice %arg8[%dma_start3A_232, %dma_start3A_236] : memref<4x128xi32, #tpu.memory_space<vmem>> -> memref<1x128xi32, #tpu.memory_space<vmem>>
      %dma_start3A_238 = tpu.memref_squeeze %dma_start3A_237 : memref<1x128xi32, #tpu.memory_space<vmem>> -> memref<128xi32, #tpu.memory_space<vmem>>
      %dma_start3A_239 = arith.constant 0 : i32
      %dma_start3A_240 = arith.constant 0 : i32
      %dma_start3A_241 = tpu.memref_slice %arg6[%dma_start3A_239, %dma_start3A_240] : memref<705024x128xf32, #tpu.memory_space<hbm>> -> memref<705024x128xf32, #tpu.memory_space<hbm>>
      tpu.enqueue_indirect_dma source(%dma_start3A_235 : memref<128x128xf32, #tpu.memory_space<vmem>>) target(%dma_start3A_241 : memref<705024x128xf32, #tpu.memory_space<hbm>>) offsets(%dma_start3A_238 : memref<128xi32, #tpu.memory_space<vmem>>) semaphore(%arg12 : memref<!tpu.dma_semaphore, #tpu.memory_space<semaphore_mem>>)
      %dma_start3A_242 = arith.constant 3 : i32
      %dma_start3A_243 = arith.constant 384 : i32
      %dma_start3A_244 = arith.constant 0 : i32
      %dma_start3A_245 = tpu.memref_slice %arg9[%dma_start3A_243, %dma_start3A_244] : memref<512x128xf32, #tpu.memory_space<vmem>> -> memref<128x128xf32, #tpu.memory_space<vmem>>
      %dma_start3A_246 = arith.constant 0 : i32
      %dma_start3A_247 = tpu.memref_slice %arg8[%dma_start3A_242, %dma_start3A_246] : memref<4x128xi32, #tpu.memory_space<vmem>> -> memref<1x128xi32, #tpu.memory_space<vmem>>
      %dma_start3A_248 = tpu.memref_squeeze %dma_start3A_247 : memref<1x128xi32, #tpu.memory_space<vmem>> -> memref<128xi32, #tpu.memory_space<vmem>>
      %dma_start3A_249 = arith.constant 0 : i32
      %dma_start3A_250 = arith.constant 0 : i32
      %dma_start3A_251 = tpu.memref_slice %arg6[%dma_start3A_249, %dma_start3A_250] : memref<705024x128xf32, #tpu.memory_space<hbm>> -> memref<705024x128xf32, #tpu.memory_space<hbm>>
      tpu.enqueue_indirect_dma source(%dma_start3A_245 : memref<128x128xf32, #tpu.memory_space<vmem>>) target(%dma_start3A_251 : memref<705024x128xf32, #tpu.memory_space<hbm>>) offsets(%dma_start3A_248 : memref<128xi32, #tpu.memory_space<vmem>>) semaphore(%arg12 : memref<!tpu.dma_semaphore, #tpu.memory_space<semaphore_mem>>)
      %dma_wait3A_252 = arith.constant 0 : i32
      %dma_wait3A_253 = arith.constant 0 : i32
      %dma_wait3A_254 = arith.constant 0 : i32
      %dma_wait3A_255 = tpu.memref_slice %arg9[%dma_wait3A_253, %dma_wait3A_254] : memref<512x128xf32, #tpu.memory_space<vmem>> -> memref<128x128xf32, #tpu.memory_space<vmem>>
      %dma_wait3A_256 = arith.constant 0 : i32
      %dma_wait3A_257 = tpu.memref_slice %arg8[%dma_wait3A_252, %dma_wait3A_256] : memref<4x128xi32, #tpu.memory_space<vmem>> -> memref<1x128xi32, #tpu.memory_space<vmem>>
      %dma_wait3A_258 = tpu.memref_squeeze %dma_wait3A_257 : memref<1x128xi32, #tpu.memory_space<vmem>> -> memref<128xi32, #tpu.memory_space<vmem>>
      %dma_wait3A_259 = arith.constant 0 : i32
      %dma_wait3A_260 = arith.constant 0 : i32
      %dma_wait3A_261 = tpu.memref_slice %arg6[%dma_wait3A_259, %dma_wait3A_260] : memref<705024x128xf32, #tpu.memory_space<hbm>> -> memref<705024x128xf32, #tpu.memory_space<hbm>>
      tpu.wait_indirect_dma semaphore(%arg12 : memref<!tpu.dma_semaphore, #tpu.memory_space<semaphore_mem>>) src(%dma_wait3A_255 : memref<128x128xf32, #tpu.memory_space<vmem>>) dst(%dma_wait3A_261 : memref<705024x128xf32, #tpu.memory_space<hbm>>)
      %dma_wait3A_262 = arith.constant 1 : i32
      %dma_wait3A_263 = arith.constant 128 : i32
      %dma_wait3A_264 = arith.constant 0 : i32
      %dma_wait3A_265 = tpu.memref_slice %arg9[%dma_wait3A_263, %dma_wait3A_264] : memref<512x128xf32, #tpu.memory_space<vmem>> -> memref<128x128xf32, #tpu.memory_space<vmem>>
      %dma_wait3A_266 = arith.constant 0 : i32
      %dma_wait3A_267 = tpu.memref_slice %arg8[%dma_wait3A_262, %dma_wait3A_266] : memref<4x128xi32, #tpu.memory_space<vmem>> -> memref<1x128xi32, #tpu.memory_space<vmem>>
      %dma_wait3A_268 = tpu.memref_squeeze %dma_wait3A_267 : memref<1x128xi32, #tpu.memory_space<vmem>> -> memref<128xi32, #tpu.memory_space<vmem>>
      %dma_wait3A_269 = arith.constant 0 : i32
      %dma_wait3A_270 = arith.constant 0 : i32
      %dma_wait3A_271 = tpu.memref_slice %arg6[%dma_wait3A_269, %dma_wait3A_270] : memref<705024x128xf32, #tpu.memory_space<hbm>> -> memref<705024x128xf32, #tpu.memory_space<hbm>>
      tpu.wait_indirect_dma semaphore(%arg12 : memref<!tpu.dma_semaphore, #tpu.memory_space<semaphore_mem>>) src(%dma_wait3A_265 : memref<128x128xf32, #tpu.memory_space<vmem>>) dst(%dma_wait3A_271 : memref<705024x128xf32, #tpu.memory_space<hbm>>)
      %dma_wait3A_272 = arith.constant 2 : i32
      %dma_wait3A_273 = arith.constant 256 : i32
      %dma_wait3A_274 = arith.constant 0 : i32
      %dma_wait3A_275 = tpu.memref_slice %arg9[%dma_wait3A_273, %dma_wait3A_274] : memref<512x128xf32, #tpu.memory_space<vmem>> -> memref<128x128xf32, #tpu.memory_space<vmem>>
      %dma_wait3A_276 = arith.constant 0 : i32
      %dma_wait3A_277 = tpu.memref_slice %arg8[%dma_wait3A_272, %dma_wait3A_276] : memref<4x128xi32, #tpu.memory_space<vmem>> -> memref<1x128xi32, #tpu.memory_space<vmem>>
      %dma_wait3A_278 = tpu.memref_squeeze %dma_wait3A_277 : memref<1x128xi32, #tpu.memory_space<vmem>> -> memref<128xi32, #tpu.memory_space<vmem>>
      %dma_wait3A_279 = arith.constant 0 : i32
      %dma_wait3A_280 = arith.constant 0 : i32
      %dma_wait3A_281 = tpu.memref_slice %arg6[%dma_wait3A_279, %dma_wait3A_280] : memref<705024x128xf32, #tpu.memory_space<hbm>> -> memref<705024x128xf32, #tpu.memory_space<hbm>>
      tpu.wait_indirect_dma semaphore(%arg12 : memref<!tpu.dma_semaphore, #tpu.memory_space<semaphore_mem>>) src(%dma_wait3A_275 : memref<128x128xf32, #tpu.memory_space<vmem>>) dst(%dma_wait3A_281 : memref<705024x128xf32, #tpu.memory_space<hbm>>)
      %dma_wait3A_282 = arith.constant 3 : i32
      %dma_wait3A_283 = arith.constant 384 : i32
      %dma_wait3A_284 = arith.constant 0 : i32
      %dma_wait3A_285 = tpu.memref_slice %arg9[%dma_wait3A_283, %dma_wait3A_284] : memref<512x128xf32, #tpu.memory_space<vmem>> -> memref<128x128xf32, #tpu.memory_space<vmem>>
      %dma_wait3A_286 = arith.constant 0 : i32
      %dma_wait3A_287 = tpu.memref_slice %arg8[%dma_wait3A_282, %dma_wait3A_286] : memref<4x128xi32, #tpu.memory_space<vmem>> -> memref<1x128xi32, #tpu.memory_space<vmem>>
      %dma_wait3A_288 = tpu.memref_squeeze %dma_wait3A_287 : memref<1x128xi32, #tpu.memory_space<vmem>> -> memref<128xi32, #tpu.memory_space<vmem>>
      %dma_wait3A_289 = arith.constant 0 : i32
      %dma_wait3A_290 = arith.constant 0 : i32
      %dma_wait3A_291 = tpu.memref_slice %arg6[%dma_wait3A_289, %dma_wait3A_290] : memref<705024x128xf32, #tpu.memory_space<hbm>> -> memref<705024x128xf32, #tpu.memory_space<hbm>>
      tpu.wait_indirect_dma semaphore(%arg12 : memref<!tpu.dma_semaphore, #tpu.memory_space<semaphore_mem>>) src(%dma_wait3A_285 : memref<128x128xf32, #tpu.memory_space<vmem>>) dst(%dma_wait3A_291 : memref<705024x128xf32, #tpu.memory_space<hbm>>)
      %while3A_292 = arith.constant 0 : i32
      scf.yield %while3A_292 : i32
    }
    %while3A_120 = arith.constant 1 : i32
    %while3A_121 = scf.for %while3A_122 = %while3A_117 to %while3A_113 step %while3A_120 iter_args(%while3A_123 = %while3A_119) -> (i32)  : i32 {
      %mul3A_124 = arith.constant 16 : i32
      %mul3A_125 = arith.muli %while3A_122, %mul3A_124 : i32
      %add3A_126 = arith.addi %arg1, %mul3A_125 : i32
      %mul3A_127 = arith.constant 644 : i32
      %mul3A_128 = arith.muli %arg0, %mul3A_127 : i32
      %mul3A_129 = arith.constant 4 : i32
      %mul3A_130 = arith.muli %add3A_126, %mul3A_129 : i32
      %add3A_131 = arith.addi %mul3A_128, %mul3A_130 : i32
      "tpu.region"() ({
        %run_scoped3A = tpu.sem_alloc : memref<!tpu.dma_semaphore, #tpu.memory_space<semaphore_mem>>
        %dma_start3A_293 = arith.constant 0 : i32
        %dma_start3A_294 = tpu.memref_slice %arg3[%add3A_131, %dma_start3A_293] : memref<1288x128xi32, #tpu.memory_space<hbm>> -> memref<4x128xi32, #tpu.memory_space<hbm>>
        %dma_start3A_295 = arith.constant 0 : i32
        %dma_start3A_296 = tpu.memref_slice %arg3[%add3A_131, %dma_start3A_295] : memref<1288x128xi32, #tpu.memory_space<hbm>> -> memref<4x128xi32, #tpu.memory_space<hbm>>
        tpu.enqueue_dma source(%dma_start3A_296 : memref<4x128xi32, #tpu.memory_space<hbm>>) target(%arg7 : memref<4x128xi32, #tpu.memory_space<vmem>>) target_semaphore(%run_scoped3A : memref<!tpu.dma_semaphore, #tpu.memory_space<semaphore_mem>>)
        %dma_wait3A_297 = arith.constant 0 : i32
        %dma_wait3A_298 = tpu.memref_slice %arg3[%add3A_131, %dma_wait3A_297] : memref<1288x128xi32, #tpu.memory_space<hbm>> -> memref<4x128xi32, #tpu.memory_space<hbm>>
        %dma_wait3A_299 = arith.constant 0 : i32
        %dma_wait3A_300 = tpu.memref_slice %arg3[%add3A_131, %dma_wait3A_299] : memref<1288x128xi32, #tpu.memory_space<hbm>> -> memref<4x128xi32, #tpu.memory_space<hbm>>
        tpu.wait_dma2 semaphore(%run_scoped3A : memref<!tpu.dma_semaphore, #tpu.memory_space<semaphore_mem>>) src(%dma_wait3A_300 : memref<4x128xi32, #tpu.memory_space<hbm>>) dst(%arg7 : memref<4x128xi32, #tpu.memory_space<vmem>>)
        tpu.yield
      }) : () -> ()
      "tpu.region"() ({
        %run_scoped3A = tpu.sem_alloc : memref<!tpu.dma_semaphore, #tpu.memory_space<semaphore_mem>>
        %dma_start3A_293 = arith.constant 0 : i32
        %dma_start3A_294 = tpu.memref_slice %arg4[%add3A_131, %dma_start3A_293] : memref<1288x128xi32, #tpu.memory_space<hbm>> -> memref<4x128xi32, #tpu.memory_space<hbm>>
        %dma_start3A_295 = arith.constant 0 : i32
        %dma_start3A_296 = tpu.memref_slice %arg4[%add3A_131, %dma_start3A_295] : memref<1288x128xi32, #tpu.memory_space<hbm>> -> memref<4x128xi32, #tpu.memory_space<hbm>>
        tpu.enqueue_dma source(%dma_start3A_296 : memref<4x128xi32, #tpu.memory_space<hbm>>) target(%arg8 : memref<4x128xi32, #tpu.memory_space<vmem>>) target_semaphore(%run_scoped3A : memref<!tpu.dma_semaphore, #tpu.memory_space<semaphore_mem>>)
        %dma_wait3A_297 = arith.constant 0 : i32
        %dma_wait3A_298 = tpu.memref_slice %arg4[%add3A_131, %dma_wait3A_297] : memref<1288x128xi32, #tpu.memory_space<hbm>> -> memref<4x128xi32, #tpu.memory_space<hbm>>
        %dma_wait3A_299 = arith.constant 0 : i32
        %dma_wait3A_300 = tpu.memref_slice %arg4[%add3A_131, %dma_wait3A_299] : memref<1288x128xi32, #tpu.memory_space<hbm>> -> memref<4x128xi32, #tpu.memory_space<hbm>>
        tpu.wait_dma2 semaphore(%run_scoped3A : memref<!tpu.dma_semaphore, #tpu.memory_space<semaphore_mem>>) src(%dma_wait3A_300 : memref<4x128xi32, #tpu.memory_space<hbm>>) dst(%arg8 : memref<4x128xi32, #tpu.memory_space<vmem>>)
        tpu.yield
      }) : () -> ()
      %dma_start3A_132 = arith.constant 0 : i32
      %dma_start3A_133 = arith.constant 0 : i32
      %dma_start3A_134 = arith.constant 0 : i32
      %dma_start3A_135 = tpu.memref_slice %arg9[%dma_start3A_133, %dma_start3A_134] : memref<512x128xf32, #tpu.memory_space<vmem>> -> memref<128x128xf32, #tpu.memory_space<vmem>>
      %dma_start3A_136 = arith.constant 0 : i32
      %dma_start3A_137 = tpu.memref_slice %arg7[%dma_start3A_132, %dma_start3A_136] : memref<4x128xi32, #tpu.memory_space<vmem>> -> memref<1x128xi32, #tpu.memory_space<vmem>>
      %dma_start3A_138 = tpu.memref_squeeze %dma_start3A_137 : memref<1x128xi32, #tpu.memory_space<vmem>> -> memref<128xi32, #tpu.memory_space<vmem>>
      %dma_start3A_139 = arith.constant 0 : i32
      %dma_start3A_140 = arith.constant 0 : i32
      %dma_start3A_141 = tpu.memref_slice %arg2[%dma_start3A_139, %dma_start3A_140] : memref<163848x128xf32, #tpu.memory_space<hbm>> -> memref<163848x128xf32, #tpu.memory_space<hbm>>
      tpu.enqueue_indirect_dma source(%dma_start3A_141 : memref<163848x128xf32, #tpu.memory_space<hbm>>) target(%dma_start3A_135 : memref<128x128xf32, #tpu.memory_space<vmem>>) offsets(%dma_start3A_138 : memref<128xi32, #tpu.memory_space<vmem>>) semaphore(%arg11 : memref<!tpu.dma_semaphore, #tpu.memory_space<semaphore_mem>>)
      %dma_start3A_142 = arith.constant 1 : i32
      %dma_start3A_143 = arith.constant 128 : i32
      %dma_start3A_144 = arith.constant 0 : i32
      %dma_start3A_145 = tpu.memref_slice %arg9[%dma_start3A_143, %dma_start3A_144] : memref<512x128xf32, #tpu.memory_space<vmem>> -> memref<128x128xf32, #tpu.memory_space<vmem>>
      %dma_start3A_146 = arith.constant 0 : i32
      %dma_start3A_147 = tpu.memref_slice %arg7[%dma_start3A_142, %dma_start3A_146] : memref<4x128xi32, #tpu.memory_space<vmem>> -> memref<1x128xi32, #tpu.memory_space<vmem>>
      %dma_start3A_148 = tpu.memref_squeeze %dma_start3A_147 : memref<1x128xi32, #tpu.memory_space<vmem>> -> memref<128xi32, #tpu.memory_space<vmem>>
      %dma_start3A_149 = arith.constant 0 : i32
      %dma_start3A_150 = arith.constant 0 : i32
      %dma_start3A_151 = tpu.memref_slice %arg2[%dma_start3A_149, %dma_start3A_150] : memref<163848x128xf32, #tpu.memory_space<hbm>> -> memref<163848x128xf32, #tpu.memory_space<hbm>>
      tpu.enqueue_indirect_dma source(%dma_start3A_151 : memref<163848x128xf32, #tpu.memory_space<hbm>>) target(%dma_start3A_145 : memref<128x128xf32, #tpu.memory_space<vmem>>) offsets(%dma_start3A_148 : memref<128xi32, #tpu.memory_space<vmem>>) semaphore(%arg11 : memref<!tpu.dma_semaphore, #tpu.memory_space<semaphore_mem>>)
      %dma_start3A_152 = arith.constant 2 : i32
      %dma_start3A_153 = arith.constant 256 : i32
      %dma_start3A_154 = arith.constant 0 : i32
      %dma_start3A_155 = tpu.memref_slice %arg9[%dma_start3A_153, %dma_start3A_154] : memref<512x128xf32, #tpu.memory_space<vmem>> -> memref<128x128xf32, #tpu.memory_space<vmem>>
      %dma_start3A_156 = arith.constant 0 : i32
      %dma_start3A_157 = tpu.memref_slice %arg7[%dma_start3A_152, %dma_start3A_156] : memref<4x128xi32, #tpu.memory_space<vmem>> -> memref<1x128xi32, #tpu.memory_space<vmem>>
      %dma_start3A_158 = tpu.memref_squeeze %dma_start3A_157 : memref<1x128xi32, #tpu.memory_space<vmem>> -> memref<128xi32, #tpu.memory_space<vmem>>
      %dma_start3A_159 = arith.constant 0 : i32
      %dma_start3A_160 = arith.constant 0 : i32
      %dma_start3A_161 = tpu.memref_slice %arg2[%dma_start3A_159, %dma_start3A_160] : memref<163848x128xf32, #tpu.memory_space<hbm>> -> memref<163848x128xf32, #tpu.memory_space<hbm>>
      tpu.enqueue_indirect_dma source(%dma_start3A_161 : memref<163848x128xf32, #tpu.memory_space<hbm>>) target(%dma_start3A_155 : memref<128x128xf32, #tpu.memory_space<vmem>>) offsets(%dma_start3A_158 : memref<128xi32, #tpu.memory_space<vmem>>) semaphore(%arg11 : memref<!tpu.dma_semaphore, #tpu.memory_space<semaphore_mem>>)
      %dma_start3A_162 = arith.constant 3 : i32
      %dma_start3A_163 = arith.constant 384 : i32
      %dma_start3A_164 = arith.constant 0 : i32
      %dma_start3A_165 = tpu.memref_slice %arg9[%dma_start3A_163, %dma_start3A_164] : memref<512x128xf32, #tpu.memory_space<vmem>> -> memref<128x128xf32, #tpu.memory_space<vmem>>
      %dma_start3A_166 = arith.constant 0 : i32
      %dma_start3A_167 = tpu.memref_slice %arg7[%dma_start3A_162, %dma_start3A_166] : memref<4x128xi32, #tpu.memory_space<vmem>> -> memref<1x128xi32, #tpu.memory_space<vmem>>
      %dma_start3A_168 = tpu.memref_squeeze %dma_start3A_167 : memref<1x128xi32, #tpu.memory_space<vmem>> -> memref<128xi32, #tpu.memory_space<vmem>>
      %dma_start3A_169 = arith.constant 0 : i32
      %dma_start3A_170 = arith.constant 0 : i32
      %dma_start3A_171 = tpu.memref_slice %arg2[%dma_start3A_169, %dma_start3A_170] : memref<163848x128xf32, #tpu.memory_space<hbm>> -> memref<163848x128xf32, #tpu.memory_space<hbm>>
      tpu.enqueue_indirect_dma source(%dma_start3A_171 : memref<163848x128xf32, #tpu.memory_space<hbm>>) target(%dma_start3A_165 : memref<128x128xf32, #tpu.memory_space<vmem>>) offsets(%dma_start3A_168 : memref<128xi32, #tpu.memory_space<vmem>>) semaphore(%arg11 : memref<!tpu.dma_semaphore, #tpu.memory_space<semaphore_mem>>)
      %dma_wait3A_172 = arith.constant 0 : i32
      %dma_wait3A_173 = arith.constant 0 : i32
      %dma_wait3A_174 = arith.constant 0 : i32
      %dma_wait3A_175 = tpu.memref_slice %arg9[%dma_wait3A_173, %dma_wait3A_174] : memref<512x128xf32, #tpu.memory_space<vmem>> -> memref<128x128xf32, #tpu.memory_space<vmem>>
      %dma_wait3A_176 = arith.constant 0 : i32
      %dma_wait3A_177 = tpu.memref_slice %arg7[%dma_wait3A_172, %dma_wait3A_176] : memref<4x128xi32, #tpu.memory_space<vmem>> -> memref<1x128xi32, #tpu.memory_space<vmem>>
      %dma_wait3A_178 = tpu.memref_squeeze %dma_wait3A_177 : memref<1x128xi32, #tpu.memory_space<vmem>> -> memref<128xi32, #tpu.memory_space<vmem>>
      %dma_wait3A_179 = arith.constant 0 : i32
      %dma_wait3A_180 = arith.constant 0 : i32
      %dma_wait3A_181 = tpu.memref_slice %arg2[%dma_wait3A_179, %dma_wait3A_180] : memref<163848x128xf32, #tpu.memory_space<hbm>> -> memref<163848x128xf32, #tpu.memory_space<hbm>>
      tpu.wait_indirect_dma semaphore(%arg11 : memref<!tpu.dma_semaphore, #tpu.memory_space<semaphore_mem>>) src(%dma_wait3A_181 : memref<163848x128xf32, #tpu.memory_space<hbm>>) dst(%dma_wait3A_175 : memref<128x128xf32, #tpu.memory_space<vmem>>)
      %dma_wait3A_182 = arith.constant 1 : i32
      %dma_wait3A_183 = arith.constant 128 : i32
      %dma_wait3A_184 = arith.constant 0 : i32
      %dma_wait3A_185 = tpu.memref_slice %arg9[%dma_wait3A_183, %dma_wait3A_184] : memref<512x128xf32, #tpu.memory_space<vmem>> -> memref<128x128xf32, #tpu.memory_space<vmem>>
      %dma_wait3A_186 = arith.constant 0 : i32
      %dma_wait3A_187 = tpu.memref_slice %arg7[%dma_wait3A_182, %dma_wait3A_186] : memref<4x128xi32, #tpu.memory_space<vmem>> -> memref<1x128xi32, #tpu.memory_space<vmem>>
      %dma_wait3A_188 = tpu.memref_squeeze %dma_wait3A_187 : memref<1x128xi32, #tpu.memory_space<vmem>> -> memref<128xi32, #tpu.memory_space<vmem>>
      %dma_wait3A_189 = arith.constant 0 : i32
      %dma_wait3A_190 = arith.constant 0 : i32
      %dma_wait3A_191 = tpu.memref_slice %arg2[%dma_wait3A_189, %dma_wait3A_190] : memref<163848x128xf32, #tpu.memory_space<hbm>> -> memref<163848x128xf32, #tpu.memory_space<hbm>>
      tpu.wait_indirect_dma semaphore(%arg11 : memref<!tpu.dma_semaphore, #tpu.memory_space<semaphore_mem>>) src(%dma_wait3A_191 : memref<163848x128xf32, #tpu.memory_space<hbm>>) dst(%dma_wait3A_185 : memref<128x128xf32, #tpu.memory_space<vmem>>)
      %dma_wait3A_192 = arith.constant 2 : i32
      %dma_wait3A_193 = arith.constant 256 : i32
      %dma_wait3A_194 = arith.constant 0 : i32
      %dma_wait3A_195 = tpu.memref_slice %arg9[%dma_wait3A_193, %dma_wait3A_194] : memref<512x128xf32, #tpu.memory_space<vmem>> -> memref<128x128xf32, #tpu.memory_space<vmem>>
      %dma_wait3A_196 = arith.constant 0 : i32
      %dma_wait3A_197 = tpu.memref_slice %arg7[%dma_wait3A_192, %dma_wait3A_196] : memref<4x128xi32, #tpu.memory_space<vmem>> -> memref<1x128xi32, #tpu.memory_space<vmem>>
      %dma_wait3A_198 = tpu.memref_squeeze %dma_wait3A_197 : memref<1x128xi32, #tpu.memory_space<vmem>> -> memref<128xi32, #tpu.memory_space<vmem>>
      %dma_wait3A_199 = arith.constant 0 : i32
      %dma_wait3A_200 = arith.constant 0 : i32
      %dma_wait3A_201 = tpu.memref_slice %arg2[%dma_wait3A_199, %dma_wait3A_200] : memref<163848x128xf32, #tpu.memory_space<hbm>> -> memref<163848x128xf32, #tpu.memory_space<hbm>>
      tpu.wait_indirect_dma semaphore(%arg11 : memref<!tpu.dma_semaphore, #tpu.memory_space<semaphore_mem>>) src(%dma_wait3A_201 : memref<163848x128xf32, #tpu.memory_space<hbm>>) dst(%dma_wait3A_195 : memref<128x128xf32, #tpu.memory_space<vmem>>)
      %dma_wait3A_202 = arith.constant 3 : i32
      %dma_wait3A_203 = arith.constant 384 : i32
      %dma_wait3A_204 = arith.constant 0 : i32
      %dma_wait3A_205 = tpu.memref_slice %arg9[%dma_wait3A_203, %dma_wait3A_204] : memref<512x128xf32, #tpu.memory_space<vmem>> -> memref<128x128xf32, #tpu.memory_space<vmem>>
      %dma_wait3A_206 = arith.constant 0 : i32
      %dma_wait3A_207 = tpu.memref_slice %arg7[%dma_wait3A_202, %dma_wait3A_206] : memref<4x128xi32, #tpu.memory_space<vmem>> -> memref<1x128xi32, #tpu.memory_space<vmem>>
      %dma_wait3A_208 = tpu.memref_squeeze %dma_wait3A_207 : memref<1x128xi32, #tpu.memory_space<vmem>> -> memref<128xi32, #tpu.memory_space<vmem>>
      %dma_wait3A_209 = arith.constant 0 : i32
      %dma_wait3A_210 = arith.constant 0 : i32
      %dma_wait3A_211 = tpu.memref_slice %arg2[%dma_wait3A_209, %dma_wait3A_210] : memref<163848x128xf32, #tpu.memory_space<hbm>> -> memref<163848x128xf32, #tpu.memory_space<hbm>>
      tpu.wait_indirect_dma semaphore(%arg11 : memref<!tpu.dma_semaphore, #tpu.memory_space<semaphore_mem>>) src(%dma_wait3A_211 : memref<163848x128xf32, #tpu.memory_space<hbm>>) dst(%dma_wait3A_205 : memref<128x128xf32, #tpu.memory_space<vmem>>)
      %dma_start3A_212 = arith.constant 0 : i32
      %dma_start3A_213 = arith.constant 0 : i32
      %dma_start3A_214 = arith.constant 0 : i32
      %dma_start3A_215 = tpu.memref_slice %arg9[%dma_start3A_213, %dma_start3A_214] : memref<512x128xf32, #tpu.memory_space<vmem>> -> memref<128x128xf32, #tpu.memory_space<vmem>>
      %dma_start3A_216 = arith.constant 0 : i32
      %dma_start3A_217 = tpu.memref_slice %arg8[%dma_start3A_212, %dma_start3A_216] : memref<4x128xi32, #tpu.memory_space<vmem>> -> memref<1x128xi32, #tpu.memory_space<vmem>>
      %dma_start3A_218 = tpu.memref_squeeze %dma_start3A_217 : memref<1x128xi32, #tpu.memory_space<vmem>> -> memref<128xi32, #tpu.memory_space<vmem>>
      %dma_start3A_219 = arith.constant 0 : i32
      %dma_start3A_220 = arith.constant 0 : i32
      %dma_start3A_221 = tpu.memref_slice %arg6[%dma_start3A_219, %dma_start3A_220] : memref<705024x128xf32, #tpu.memory_space<hbm>> -> memref<705024x128xf32, #tpu.memory_space<hbm>>
      tpu.enqueue_indirect_dma source(%dma_start3A_215 : memref<128x128xf32, #tpu.memory_space<vmem>>) target(%dma_start3A_221 : memref<705024x128xf32, #tpu.memory_space<hbm>>) offsets(%dma_start3A_218 : memref<128xi32, #tpu.memory_space<vmem>>) semaphore(%arg12 : memref<!tpu.dma_semaphore, #tpu.memory_space<semaphore_mem>>)
      %dma_start3A_222 = arith.constant 1 : i32
      %dma_start3A_223 = arith.constant 128 : i32
      %dma_start3A_224 = arith.constant 0 : i32
      %dma_start3A_225 = tpu.memref_slice %arg9[%dma_start3A_223, %dma_start3A_224] : memref<512x128xf32, #tpu.memory_space<vmem>> -> memref<128x128xf32, #tpu.memory_space<vmem>>
      %dma_start3A_226 = arith.constant 0 : i32
      %dma_start3A_227 = tpu.memref_slice %arg8[%dma_start3A_222, %dma_start3A_226] : memref<4x128xi32, #tpu.memory_space<vmem>> -> memref<1x128xi32, #tpu.memory_space<vmem>>
      %dma_start3A_228 = tpu.memref_squeeze %dma_start3A_227 : memref<1x128xi32, #tpu.memory_space<vmem>> -> memref<128xi32, #tpu.memory_space<vmem>>
      %dma_start3A_229 = arith.constant 0 : i32
      %dma_start3A_230 = arith.constant 0 : i32
      %dma_start3A_231 = tpu.memref_slice %arg6[%dma_start3A_229, %dma_start3A_230] : memref<705024x128xf32, #tpu.memory_space<hbm>> -> memref<705024x128xf32, #tpu.memory_space<hbm>>
      tpu.enqueue_indirect_dma source(%dma_start3A_225 : memref<128x128xf32, #tpu.memory_space<vmem>>) target(%dma_start3A_231 : memref<705024x128xf32, #tpu.memory_space<hbm>>) offsets(%dma_start3A_228 : memref<128xi32, #tpu.memory_space<vmem>>) semaphore(%arg12 : memref<!tpu.dma_semaphore, #tpu.memory_space<semaphore_mem>>)
      %dma_start3A_232 = arith.constant 2 : i32
      %dma_start3A_233 = arith.constant 256 : i32
      %dma_start3A_234 = arith.constant 0 : i32
      %dma_start3A_235 = tpu.memref_slice %arg9[%dma_start3A_233, %dma_start3A_234] : memref<512x128xf32, #tpu.memory_space<vmem>> -> memref<128x128xf32, #tpu.memory_space<vmem>>
      %dma_start3A_236 = arith.constant 0 : i32
      %dma_start3A_237 = tpu.memref_slice %arg8[%dma_start3A_232, %dma_start3A_236] : memref<4x128xi32, #tpu.memory_space<vmem>> -> memref<1x128xi32, #tpu.memory_space<vmem>>
      %dma_start3A_238 = tpu.memref_squeeze %dma_start3A_237 : memref<1x128xi32, #tpu.memory_space<vmem>> -> memref<128xi32, #tpu.memory_space<vmem>>
      %dma_start3A_239 = arith.constant 0 : i32
      %dma_start3A_240 = arith.constant 0 : i32
      %dma_start3A_241 = tpu.memref_slice %arg6[%dma_start3A_239, %dma_start3A_240] : memref<705024x128xf32, #tpu.memory_space<hbm>> -> memref<705024x128xf32, #tpu.memory_space<hbm>>
      tpu.enqueue_indirect_dma source(%dma_start3A_235 : memref<128x128xf32, #tpu.memory_space<vmem>>) target(%dma_start3A_241 : memref<705024x128xf32, #tpu.memory_space<hbm>>) offsets(%dma_start3A_238 : memref<128xi32, #tpu.memory_space<vmem>>) semaphore(%arg12 : memref<!tpu.dma_semaphore, #tpu.memory_space<semaphore_mem>>)
      %dma_start3A_242 = arith.constant 3 : i32
      %dma_start3A_243 = arith.constant 384 : i32
      %dma_start3A_244 = arith.constant 0 : i32
      %dma_start3A_245 = tpu.memref_slice %arg9[%dma_start3A_243, %dma_start3A_244] : memref<512x128xf32, #tpu.memory_space<vmem>> -> memref<128x128xf32, #tpu.memory_space<vmem>>
      %dma_start3A_246 = arith.constant 0 : i32
      %dma_start3A_247 = tpu.memref_slice %arg8[%dma_start3A_242, %dma_start3A_246] : memref<4x128xi32, #tpu.memory_space<vmem>> -> memref<1x128xi32, #tpu.memory_space<vmem>>
      %dma_start3A_248 = tpu.memref_squeeze %dma_start3A_247 : memref<1x128xi32, #tpu.memory_space<vmem>> -> memref<128xi32, #tpu.memory_space<vmem>>
      %dma_start3A_249 = arith.constant 0 : i32
      %dma_start3A_250 = arith.constant 0 : i32
      %dma_start3A_251 = tpu.memref_slice %arg6[%dma_start3A_249, %dma_start3A_250] : memref<705024x128xf32, #tpu.memory_space<hbm>> -> memref<705024x128xf32, #tpu.memory_space<hbm>>
      tpu.enqueue_indirect_dma source(%dma_start3A_245 : memref<128x128xf32, #tpu.memory_space<vmem>>) target(%dma_start3A_251 : memref<705024x128xf32, #tpu.memory_space<hbm>>) offsets(%dma_start3A_248 : memref<128xi32, #tpu.memory_space<vmem>>) semaphore(%arg12 : memref<!tpu.dma_semaphore, #tpu.memory_space<semaphore_mem>>)
      %dma_wait3A_252 = arith.constant 0 : i32
      %dma_wait3A_253 = arith.constant 0 : i32
      %dma_wait3A_254 = arith.constant 0 : i32
      %dma_wait3A_255 = tpu.memref_slice %arg9[%dma_wait3A_253, %dma_wait3A_254] : memref<512x128xf32, #tpu.memory_space<vmem>> -> memref<128x128xf32, #tpu.memory_space<vmem>>
      %dma_wait3A_256 = arith.constant 0 : i32
      %dma_wait3A_257 = tpu.memref_slice %arg8[%dma_wait3A_252, %dma_wait3A_256] : memref<4x128xi32, #tpu.memory_space<vmem>> -> memref<1x128xi32, #tpu.memory_space<vmem>>
      %dma_wait3A_258 = tpu.memref_squeeze %dma_wait3A_257 : memref<1x128xi32, #tpu.memory_space<vmem>> -> memref<128xi32, #tpu.memory_space<vmem>>
      %dma_wait3A_259 = arith.constant 0 : i32
      %dma_wait3A_260 = arith.constant 0 : i32
      %dma_wait3A_261 = tpu.memref_slice %arg6[%dma_wait3A_259, %dma_wait3A_260] : memref<705024x128xf32, #tpu.memory_space<hbm>> -> memref<705024x128xf32, #tpu.memory_space<hbm>>
      tpu.wait_indirect_dma semaphore(%arg12 : memref<!tpu.dma_semaphore, #tpu.memory_space<semaphore_mem>>) src(%dma_wait3A_255 : memref<128x128xf32, #tpu.memory_space<vmem>>) dst(%dma_wait3A_261 : memref<705024x128xf32, #tpu.memory_space<hbm>>)
      %dma_wait3A_262 = arith.constant 1 : i32
      %dma_wait3A_263 = arith.constant 128 : i32
      %dma_wait3A_264 = arith.constant 0 : i32
      %dma_wait3A_265 = tpu.memref_slice %arg9[%dma_wait3A_263, %dma_wait3A_264] : memref<512x128xf32, #tpu.memory_space<vmem>> -> memref<128x128xf32, #tpu.memory_space<vmem>>
      %dma_wait3A_266 = arith.constant 0 : i32
      %dma_wait3A_267 = tpu.memref_slice %arg8[%dma_wait3A_262, %dma_wait3A_266] : memref<4x128xi32, #tpu.memory_space<vmem>> -> memref<1x128xi32, #tpu.memory_space<vmem>>
      %dma_wait3A_268 = tpu.memref_squeeze %dma_wait3A_267 : memref<1x128xi32, #tpu.memory_space<vmem>> -> memref<128xi32, #tpu.memory_space<vmem>>
      %dma_wait3A_269 = arith.constant 0 : i32
      %dma_wait3A_270 = arith.constant 0 : i32
      %dma_wait3A_271 = tpu.memref_slice %arg6[%dma_wait3A_269, %dma_wait3A_270] : memref<705024x128xf32, #tpu.memory_space<hbm>> -> memref<705024x128xf32, #tpu.memory_space<hbm>>
      tpu.wait_indirect_dma semaphore(%arg12 : memref<!tpu.dma_semaphore, #tpu.memory_space<semaphore_mem>>) src(%dma_wait3A_265 : memref<128x128xf32, #tpu.memory_space<vmem>>) dst(%dma_wait3A_271 : memref<705024x128xf32, #tpu.memory_space<hbm>>)
      %dma_wait3A_272 = arith.constant 2 : i32
      %dma_wait3A_273 = arith.constant 256 : i32
      %dma_wait3A_274 = arith.constant 0 : i32
      %dma_wait3A_275 = tpu.memref_slice %arg9[%dma_wait3A_273, %dma_wait3A_274] : memref<512x128xf32, #tpu.memory_space<vmem>> -> memref<128x128xf32, #tpu.memory_space<vmem>>
      %dma_wait3A_276 = arith.constant 0 : i32
      %dma_wait3A_277 = tpu.memref_slice %arg8[%dma_wait3A_272, %dma_wait3A_276] : memref<4x128xi32, #tpu.memory_space<vmem>> -> memref<1x128xi32, #tpu.memory_space<vmem>>
      %dma_wait3A_278 = tpu.memref_squeeze %dma_wait3A_277 : memref<1x128xi32, #tpu.memory_space<vmem>> -> memref<128xi32, #tpu.memory_space<vmem>>
      %dma_wait3A_279 = arith.constant 0 : i32
      %dma_wait3A_280 = arith.constant 0 : i32
      %dma_wait3A_281 = tpu.memref_slice %arg6[%dma_wait3A_279, %dma_wait3A_280] : memref<705024x128xf32, #tpu.memory_space<hbm>> -> memref<705024x128xf32, #tpu.memory_space<hbm>>
      tpu.wait_indirect_dma semaphore(%arg12 : memref<!tpu.dma_semaphore, #tpu.memory_space<semaphore_mem>>) src(%dma_wait3A_275 : memref<128x128xf32, #tpu.memory_space<vmem>>) dst(%dma_wait3A_281 : memref<705024x128xf32, #tpu.memory_space<hbm>>)
      %dma_wait3A_282 = arith.constant 3 : i32
      %dma_wait3A_283 = arith.constant 384 : i32
      %dma_wait3A_284 = arith.constant 0 : i32
      %dma_wait3A_285 = tpu.memref_slice %arg9[%dma_wait3A_283, %dma_wait3A_284] : memref<512x128xf32, #tpu.memory_space<vmem>> -> memref<128x128xf32, #tpu.memory_space<vmem>>
      %dma_wait3A_286 = arith.constant 0 : i32
      %dma_wait3A_287 = tpu.memref_slice %arg8[%dma_wait3A_282, %dma_wait3A_286] : memref<4x128xi32, #tpu.memory_space<vmem>> -> memref<1x128xi32, #tpu.memory_space<vmem>>
      %dma_wait3A_288 = tpu.memref_squeeze %dma_wait3A_287 : memref<1x128xi32, #tpu.memory_space<vmem>> -> memref<128xi32, #tpu.memory_space<vmem>>
      %dma_wait3A_289 = arith.constant 0 : i32
      %dma_wait3A_290 = arith.constant 0 : i32
      %dma_wait3A_291 = tpu.memref_slice %arg6[%dma_wait3A_289, %dma_wait3A_290] : memref<705024x128xf32, #tpu.memory_space<hbm>> -> memref<705024x128xf32, #tpu.memory_space<hbm>>
      tpu.wait_indirect_dma semaphore(%arg12 : memref<!tpu.dma_semaphore, #tpu.memory_space<semaphore_mem>>) src(%dma_wait3A_285 : memref<128x128xf32, #tpu.memory_space<vmem>>) dst(%dma_wait3A_291 : memref<705024x128xf32, #tpu.memory_space<hbm>>)
      %while3A_292 = arith.constant 0 : i32
      scf.yield %while3A_292 : i32
    }
    return
  }
}

</mosaic_0001>

<sc_bundles>
// kernel: kernel.3.cloned.1.call-start
scs
__scs_entry_jumppad:
0x0: {  	(pc) =	sbr.rel $0x88, $3  }
0x1: {  	(tag) =	ssettag $0x0;
	lr =	simm.s32 $0x1  }
0x2: {  	[smem:$0x3F9F] =	sst lr;
	_ =	strace $0xD0000000  }
0x3: {  	_ = 	snop  }
0x4: {  	_ = 	snop  }
0x5: {  	_ = 	snop  }
0x6: {  	_ = 	snop  }
0x7: {  	_ = 	snop  }
__scs_overlays_trampoline_lowered:
0x8: {  	[smem:$0x3FAE] =	sst s0  }
0x9: {  	[smem:$0x3FAF] =	sst s1  }
0xa: {  	[smem:$0x3FB0] =	sst s2  }
0xb: {  	[smem:$0x3FB1] =	sst s3  }
0xc: {  	[smem:$0x3FB2] =	sst s4  }
0xd: {  	[smem:$0x3FB3] =	sst s5  }
0xe: {  	[smem:$0x3FB4] =	sst s6  }
0xf: {  	[smem:$0x3FB5] =	sst s7  }
0x10: {  	[smem:$0x3FB6] =	sst s8  }
0x11: {  	[smem:$0x3FB7] =	sst s9;
	s0 =	simm.s32 @!p0 $0x0  }
0x12: {  	s1 =	sld [smem:$0x3F9D];
	s0 =	simm.s32 @p0 $0x1  }
0x13: {  	[smem:$0x3FB8] =	sst s0;
	s0 =	simm.s32 @!p1 $0x0  }
0x14: {  	s2 =	sld [smem:$0x3F9C];
	s0 =	simm.s32 @p1 $0x1  }
0x15: {  	[smem:$0x3FB9] =	sst s0;
	s0 =	simm.s32 @!p2 $0x0  }
0x16: {  	s3 =	sld [smem:$0x3FDB];
	s0 =	simm.s32 @p2 $0x1  }
0x17: {  	s4 =	simm.s32 $0x1BF5;
	[smem:$0x3FBB] =	sst s0  }
0x18: {  	s0 =	sld [smem:$0x3F9E];
	_ =	swait.ge [sflag:s4], $0x0  }
0x19: {  	s7 =	sld [smem:$0x3F9F]  }
0x1a: {  	s8 =	sadd.s32 $0xFFFFE003, lr  }
0x1b: {  	s9 =	sadd.s32 $0xFFFFFEF7, lr;
	s5 =	simm.s32 $0xFFFFFFFF;
	p2 =	slt.u32 s8, $0xFFFFF086  }
0x1c: {  	p1 =	slt.u32 s9, $0xF7A;
	s5 =	simm.s32 @!p2 $0x0  }
0x1d: {  	s5 =	simm.s32 @p1 $0x1;
	p0 =	seq.s32 s7, s2  }
0x1e: {  	s7 =	smul.u32 @!p0 $0xF7A, s2;
	p2 =	seq.s32 @!p0 s5, $0x0  }
0x1f: {  	s9 =	smul.u32 $0xF7A, s1;
	s8 =	simm.s32 @!p0 $0x1BF5;
	p2 =	por !p2, p0  }
0x20: {  	[sflag:s8] =	ssyncset.s32 @!p0 $0xFFFFF086;
	s6 =	sadd.s32 @!p0 s3, s7;
	s7 =	simm.s32 @!p0 $0x108  }
0x21: {  	s3 =	sadd.s32 s3, s9;
	s6 =	sadd.s32 @!p0 $0x88, s6;
	s7 =	simm.s32 @p2 $0x1082  }
0x22: {  	[simem:s7], [sflag:s8] =	dma.local @!p0 [hbm:s6], $0xF7A  }
0x23: {  	s9 =	sor.u32 $0xD0000000, s2;
	s6 =	simm.s32 $0x108;
	_ =	swait.ge @!p0 [sflag:s8], $0x0  }
0x24: {  	s3 =	sadd.s32 $0x88, s3;
	s6 =	simm.s32 @!p1 $0x1082;
	[sflag:s4] =	ssyncset.s32 $0xFFFFF086  }
0x25: {  	[simem:s6], [sflag:s4] =	dma.local [hbm:s3], $0xF7A  }
0x26: {  	[smem:$0x3F9F] =	sst s1;
	(tag) =	ssettag s2;
	_ =	strace s9  }
0x27: {  	s1 =	sld [smem:$0x3FAF]  }
0x28: {  	s2 =	sld [smem:$0x3FB0]  }
0x29: {  	s4 =	sld [smem:$0x3FB2]  }
0x2a: {  	p0 =	seq.s32 s5, $0x0;
	s5 =	sld [smem:$0x3FB3]  }
0x2b: {  	s6 =	sld [smem:$0x3FB4]  }
0x2c: {  	s7 =	sld [smem:$0x3FB5]  }
0x2d: {  	s3 =	simm.s32 $0x108;
	s8 =	sld [smem:$0x3FB6]  }
0x2e: {  	s3 =	simm.s32 @!p0 $0x1082;
	s9 =	sld [smem:$0x3FB7]  }
0x2f: {  	lr =	sadd.s32 s0, s3;
	s0 =	sld [smem:$0x3FAE]  }
0x30: {  	s3 =	sld [smem:$0x3FB1]  }
0x31: {  	[smem:$0x3FBA] =	sst s10  }
0x32: {  	s10 =	sld [smem:$0x3FB8];
	_ =	sdelay $0x3  }
0x33: {  	p0 =	seq.s32 s10, $0x1;
	s10 =	sld [smem:$0x3FBA];
	_ =	sdelay $0x3  }
0x34: {  	[smem:$0x3FBA] =	sst s10  }
0x35: {  	s10 =	sld [smem:$0x3FB9];
	_ =	sdelay $0x3  }
0x36: {  	p1 =	seq.s32 s10, $0x1;
	s10 =	sld [smem:$0x3FBA];
	_ =	sdelay $0x3  }
0x37: {  	[smem:$0x3FBA] =	sst s10  }
0x38: {  	s10 =	sld [smem:$0x3FBB]  }
0x39: {  	_ = 	snop;
	(pc) =	sbr.ind lr, $3  }
0x3a: {  	_ = 	snop  }
0x3b: {  	_ = 	snop  }
0x3c: {  	p2 =	seq.s32 s10, $0x1;
	s10 =	sld [smem:$0x3FBA]  }
0x3d: {  	_ =	shalt  }
0x3e: {  	_ =	shalt  }
0x3f: {  	_ =	shalt  }
0x40: {  	_ =	shalt  }
0x41: {  	_ =	shalt  }
0x42: {  	_ =	shalt  }
0x43: {  	_ =	shalt  }
0x44: {  	_ =	shalt  }
0x45: {  	_ =	shalt  }
0x46: {  	_ =	shalt  }
0x47: {  	_ =	shalt  }
0x48: {  	_ =	shalt  }
0x49: {  	_ =	shalt  }
0x4a: {  	_ =	shalt  }
0x4b: {  	_ =	shalt  }
0x4c: {  	_ =	shalt  }
0x4d: {  	_ =	shalt  }
0x4e: {  	_ =	shalt  }
0x4f: {  	_ =	shalt  }
0x50: {  	_ =	shalt  }
0x51: {  	_ =	shalt  }
0x52: {  	_ =	shalt  }
0x53: {  	_ =	shalt  }
0x54: {  	_ =	shalt  }
0x55: {  	_ =	shalt  }
0x56: {  	_ =	shalt  }
0x57: {  	_ =	shalt  }
0x58: {  	_ =	shalt  }
0x59: {  	_ =	shalt  }
0x5a: {  	_ =	shalt  }
0x5b: {  	_ =	shalt  }
0x5c: {  	_ =	shalt  }
0x5d: {  	_ =	shalt  }
0x5e: {  	_ =	shalt  }
0x5f: {  	_ =	shalt  }
0x60: {  	_ =	shalt  }
0x61: {  	_ =	shalt  }
0x62: {  	_ =	shalt  }
0x63: {  	_ =	shalt  }
0x64: {  	_ =	shalt  }
0x65: {  	_ =	shalt  }
0x66: {  	_ =	shalt  }
0x67: {  	_ =	shalt  }
0x68: {  	_ =	shalt  }
0x69: {  	_ =	shalt  }
0x6a: {  	_ =	shalt  }
0x6b: {  	_ =	shalt  }
0x6c: {  	_ =	shalt  }
0x6d: {  	_ =	shalt  }
0x6e: {  	_ =	shalt  }
0x6f: {  	_ =	shalt  }
0x70: {  	_ =	shalt  }
0x71: {  	_ =	shalt  }
0x72: {  	_ =	shalt  }
0x73: {  	_ =	shalt  }
0x74: {  	_ =	shalt  }
0x75: {  	_ =	shalt  }
0x76: {  	_ =	shalt  }
0x77: {  	_ =	shalt  }
0x78: {  	_ =	shalt  }
0x79: {  	_ =	shalt  }
0x7a: {  	_ =	shalt  }
0x7b: {  	_ =	shalt  }
0x7c: {  	_ =	shalt  }
0x7d: {  	_ =	shalt  }
0x7e: {  	_ =	shalt  }
0x7f: {  	_ =	shalt  }
0x80: {  	_ =	shalt  }
0x81: {  	_ =	shalt  }
0x82: {  	_ =	shalt  }
0x83: {  	_ =	shalt  }
0x84: {  	_ =	shalt  }
0x85: {  	_ =	shalt  }
0x86: {  	_ =	shalt  }
0x87: {  	_ =	shalt  }
.Lfunc_end0:
.L_simem_size_0:
called_computation_lowered:
.L_overlay_start_0:
0x88: {  	s2 =	sld [smem:$0x3FD9]  }
0x89: {  	s3 =	sld [smem:$0x3FFE];
	_ =	sdelay $0x1  }
0x8a: {  	s1 =	srdreg.scid  }
0x8b: {  	s0 =	sand.u32 $0x1, s1  }
0x8c: {  	s14 =	sshll.u32 s0, $0xA;
	s2 =	sadd.s32 s3, s2  }
0x8d: {  	s2 =	sadd.s32 s2, s14  }
0x8e: {  	[smem:$0x3FC6] =	sst s2  }
0x8f: {  	_ = 	snop  }
0x90: {  	s2 =	sld [smem:$0x3FD0];
	_ =	sdelay $0x2  }
0x91: {  	s15 =	simm.s32 $0xA;
	s4 =	simm.s32 $0x10  }
0x92: {  	[smem:s4], [sflag:s15] =	dma.local [hbm:s2], $0x1  }
0x93: {  	_ =	swait.eq [sflag:s15], $0x1  }
0x94: {  	[sflag:s15] =	ssyncset.done $0x0  }
0x95: {  	[sflag:s15] =	ssyncadd.s32 $0xFFFFFFFF  }
0x96: {  	s16 =	sld [smem:$0x10];
	(tm) =	ssettm $0x1  }
0x97: {  	s17 =	sld [smem:$0x3FFB];
	_ =	sdelay $0x3  }
0x98: {  	_ =	strace s17  }
0x99: {  	s3 =	sld [smem:$0x3FFC];
	_ =	sdelay $0x3  }
0x9a: {  	_ =	strace s3  }
0x9b: {  	s3 =	sld [smem:$0x3FFD];
	_ =	sdelay $0x3  }
0x9c: {  	_ =	strace s3  }
0x9d: {  	_ =	strace $0x8FFFFFFF  }
0x9e: {  	s18 =	sld [smem:$0x3FDB];
	_ =	sdelay $0x1  }
0x9f: {  	s19 =	simm.s32 $_scs_section_size  }
0xa0: {  	s5 =	simm.s32 $_size__tile_overlayer_lowered;
	s6 =	simm.s32 $_tile_overlayer_lowered  }
0xa1: {  	s22 =	simm.s32 $0x1BFF;
	s21 =	sshll.u32 s6, $0x1;
	s3 =	sadd.s32 s19, s18  }
0xa2: {  	s7 =	simm.s32 $0x0;
	s20 =	sshll.u32 s5, $0x1;
	s5 =	sadd.s32 s21, s3  }
0xa3: {  	[timem:s7], [sflag:s22] =	dma.local [hbm:s5], s20  }
0xa4: {  	_ =	swait.ge [sflag:s22], s20  }
0xa5: {  	s4 =	ssub.s32 $0x0, s20;
	[sflag:s22] =	ssyncset.done $0x0  }
0xa6: {  	[sflag:s22] =	ssyncadd.s32 s4;
	_ =	sdelay $0x1  }
0xa7: {  	s23 =	simm.s32 $0x1B8B  }
0xa8: {  	_ =	swait.ge [sflag:s23], $0x1  }
0xa9: {  	[sflag:s23] =	ssyncset.done $0x0  }
0xaa: {  	s25 =	simm.s32 $0x1B8E;
	s24 =	sld [smem:$0x3FFE];
	[sflag:s23] =	ssyncadd.s32 $0xFFFFFFFF  }
0xab: {  	s26 =	simm.s32 $execute0_lowered;
	[smem:$0x3FD2] =	sst s25  }
0xac: {  	s5 =	sshll.u32 s26, $0x1;
	_ =	strace $0x80000046;
	[dreg:$0x1] =	wrdreg $0xFFFFFFFF  }
0xad: {  	s28 =	simm.s32 $_size_execute0_lowered;
	s3 =	sadd.s32 s3, s5;
	[dreg:$0x0] =	wrdreg $0x0  }
0xae: {  	s5 =	sshll.u32 s28, $0x1;
	[dreg:$0x2] =	wrdreg s3  }
0xaf: {  	[dreg:$0x3] =	wrdreg s5  }
0xb0: {  	[dreg:$0x4] =	wrdreg $0xC0  }
0xb1: {  	_ =	task [dreg:s7], $0x5FFFF  }
0xb2: {  	[dreg:$0x1] =	wrdreg $0xFFFFFFFF  }
0xb3: {  	[dreg:$0x0] =	wrdreg $0x60  }
0xb4: {  	[dreg:$0x2] =	wrdreg s24  }
0xb5: {  	[dreg:$0x3] =	wrdreg s16  }
0xb6: {  	[dreg:$0x4] =	wrdreg $0x9  }
0xb7: {  	_ =	task.clear_ibuf [dreg:s7], $0x5FFFF;
	_ =	strace $0x90000046  }
0xb8: {  	s29 =	simm.s32 $0x9;
	_ =	strace $0x80000048  }
0xb9: {  	_ =	swait.ge [sflag:s29], $0x1  }
0xba: {  	[sflag:s29] =	ssyncadd.s32 $0xFFFFFFFF  }
0xbb: {  	_ =	strace $0x90000048  }
0xbc: {  	_ =	sfence  }
0xbd: {  	s30 =	sld [smem:$0x0];
	_ =	sdelay $0x2  }
0xbe: {  	s31 =	sshll.u32 s1, $0xD;
	s1 =	sshrl.u32 s1, $0x2  }
0xbf: {  	s3 =	sand.u32 $0x4000, s31;
	s1 =	sadd.s32 s1, s30  }
0xc0: {  	s0 =	sor.u32 s3, s0;
	s1 =	sshll.u32 s1, $0x11  }
0xc1: {  	s0 =	sor.u32 s1, s0  }
0xc2: {  	s0 =	sadd.s32 $0x8F2B, s0  }
0xc3: {  	[sflag:s0] =	ssyncadd.remote.s32 $0x1  }
0xc4: {  	_ =	sfence.sel $0xFFFF  }
0xc5: {  	[dreg:$0x0] =	wrdreg $0xFFFFFFFF;
	(pc) =	sbr.abs _section_cstart, $3  }
0xc6: {  	[dreg:$0x1] =	wrdreg $0xFFFFFFFF  }
0xc7: {  	_ =	task.clear_ibuf [dreg:s7], $0x2FFFF;
	_ =	strace $0x9FFFFFFF  }
0xc8: {  	(tm) =	ssettm $0x7FFFFFFF  }
0xc9: {  	_ =	shalt  }
tec
execute0_lowered:
.L_overlay_start_1:
0x0: {  	(tag) =	ssettag $0x1  }
0x1: {  	s0 =	srdreg.scid;
	s1 =	rddreg [dreg:$0x0]  }
0x2: {  	s2 =	rddreg [dreg:$0x1];
	s9 =	stileid.u32  }
0x3: {  	s3 =	simm.s32 $0x0;
	s28 =	simm.s32 $0x8400;
	s29 =	simm.s32 $0x180  }
0x4: {  	s30 =	simm.s32 $0xC400;
	s31 =	simm.s32 $0x1;
	s23 =	smul.u32 $0x2B0800, s9  }
0x5: {  	s0 =	sand.u32 $0x1, s0;
	[smem:$0x7FF] =	sst s3;
	s26 =	smul.u32 $0x56100, s9  }
0x6: {  	s22 =	ssub.s32 $0xB0, s9;
	s24 =	sshll.u32 s9, $0x6;
	s6 =	smul.u32 $0x2840, s0  }
0x7: {  	s4 =	sshll.u32 s0, $0x4;
	_ =	strace $0x80000047;
	s21 =	smul.u32 $0x2B08000, s0  }
0x8: {  	s7 =	ssub.s32 $0x2, s0;
	s13 =	sshrl.u32 s22, $0x4;
	s0 =	smul.u32 $0x561000, s0  }
0x9: {  	s22 =	simm.s32 $0x200;
	s4 =	sor.u32 s9, s4;
	s8 =	sshrl.u32 s7, $0x1  }
0xa: {  	s5 =	smul.u32 $0x2B0800, s4;
	s4 =	sadd.s32 $0xBA00, s1;
	s6 =	sadd.s32 s6, s1  }
0xb: {  	s1 =	sadd.s32 $0x28BC00, s1;
	s14 =	ssub.s32 s7, s8;
	s25 =	sadd.s32 s23, s21  }
0xc: {  	s0 =	sadd.s32 s0, s2;
	s21 =	simm.s32 $0x3;
	s23 =	simm.s32 $0x80  }
0xd: {  	s7 =	simm.s32 $0x0;
	[dreg:$0x3] =	wrdreg s1;
	s5 =	sshrl.u32 s5, $0x3  }
0xe: {  	s14 =	smax.u32 s14, $0x1;
	s1 =	sadd.s32 s24, s6;
	s5 =	sadd.s32 s2, s5  }
0xf: {  	s24 =	simm.s32 $0x400;
	s6 =	simm.s32 $0x2;
	s15 =	sadd.s32 $0x50000, s5  }
0x10: {  	s9 =	sadd.s32 $0x1600, s1;
	s16 =	sadd.s32 $0x51000, s5;
	[dreg:$0x4] =	wrdreg s15  }
0x11: {  	s10 =	sadd.s32 $0x6800, s1;
	s17 =	sadd.s32 $0x52000, s5;
	[dreg:$0x5] =	wrdreg s16  }
0x12: {  	s1 =	simm.s32 $0x300;
	s18 =	sadd.s32 $0x53000, s5;
	[dreg:$0x6] =	wrdreg s17  }
0x13: {  	s19 =	sadd.s32 $0x54000, s5;
	s20 =	sadd.s32 $0x55000, s5;
	[dreg:$0x7] =	wrdreg s18  }
0x14: {  	s12 =	sadd.s32 $0x56000, s5;
	s5 =	sshrl.u32 s25, $0x3;
	[dreg:$0x8] =	wrdreg s19  }
0x15: {  	s25 =	simm.s32 $0x4400;
	[dreg:$0x9] =	wrdreg s20;
	s15 =	sadd.s32 s5, s2  }
0x16: {  	s16 =	sadd.s32 s26, s0;
	s19 =	simm.s32 $0x10400;
	s20 =	simm.s32 $0x4  }
0x17: {  	s26 =	simm.s32 $0x100;
	s0 =	simm.s32 $0x280;
	s5 =	simm.s32 $0x380  }
.LBB2_1:
0x18: {  	s8 =	rddreg [dreg:$0x3]  }
0x19: {  	[tilespmem:s19], [sflag:$0x4] =	stream.linear.gather [hbm4b:s8+s3], $0x8000, $0x38;
	[tilespmem:$0x18400] =	vst v63  }
0x1a: {  	_ =	swait.ge [sflag:s20], $0x8000  }
0x1b: {  	[sflag:s20] =	ssyncset.done $0x0  }
0x1c: {  	s11 =	sadd.s32 $0x0, s15;
	s17 =	sadd.s32 $0x0, s16;
	[sflag:s20] =	ssyncadd.s32 $0xFFFF8000  }
0x1d: {  	[hbm4b:s11+s3] =	stream.linear.scatter [tilespmem:s19], [sflag:$0x3], $0x8000, $0x38;
	[tilespmem:$0x18400] =	vst v63  }
0x1e: {  	s18 =	sadd.s32 $0x1000, s17  }
0x1f: {  	[hbm4b:s18+s3] =	stream.linear.scatter [tilespmem:s19], [sflag:$0x3], $0x8000, $0x38;
	[tilespmem:$0x18400] =	vst v63  }
0x20: {  	s11 =	sadd.s32 $0x2000, s17  }
0x21: {  	[hbm4b:s11+s3] =	stream.linear.scatter [tilespmem:s19], [sflag:$0x3], $0x8000, $0x38;
	[tilespmem:$0x18400] =	vst v63  }
0x22: {  	s18 =	sadd.s32 $0x3000, s17  }
0x23: {  	[hbm4b:s18+s3] =	stream.linear.scatter [tilespmem:s19], [sflag:$0x3], $0x8000, $0x38;
	[tilespmem:$0x18400] =	vst v63  }
0x24: {  	s11 =	sadd.s32 $0x4000, s17  }
0x25: {  	[hbm4b:s11+s3] =	stream.linear.scatter [tilespmem:s19], [sflag:$0x3], $0x8000, $0x38;
	[tilespmem:$0x18400] =	vst v63  }
0x26: {  	s18 =	sadd.s32 $0x5000, s17  }
0x27: {  	[hbm4b:s18+s3] =	stream.linear.scatter [tilespmem:s19], [sflag:$0x3], $0x8000, $0x38;
	[tilespmem:$0x18400] =	vst v63  }
0x28: {  	s11 =	sadd.s32 $0x6000, s17  }
0x29: {  	[hbm4b:s11+s3] =	stream.linear.scatter [tilespmem:s19], [sflag:$0x3], $0x8000, $0x38;
	[tilespmem:$0x18400] =	vst v63  }
0x2a: {  	s18 =	sadd.s32 $0x7000, s17  }
0x2b: {  	[hbm4b:s18+s3] =	stream.linear.scatter [tilespmem:s19], [sflag:$0x3], $0x8000, $0x38;
	[tilespmem:$0x18400] =	vst v63  }
0x2c: {  	_ =	swait.ge [sflag:s21], $0x8000  }
0x2d: {  	[sflag:s21] =	ssyncset.done $0x0  }
0x2e: {  	[sflag:s21] =	ssyncadd.s32 $0xFFFF8000  }
0x2f: {  	_ =	swait.ge [sflag:s21], $0x8000  }
0x30: {  	[sflag:s21] =	ssyncset.done $0x0  }
0x31: {  	[sflag:s21] =	ssyncadd.s32 $0xFFFF8000  }
0x32: {  	_ =	swait.ge [sflag:s21], $0x8000  }
0x33: {  	[sflag:s21] =	ssyncset.done $0x0  }
0x34: {  	[sflag:s21] =	ssyncadd.s32 $0xFFFF8000  }
0x35: {  	_ =	swait.ge [sflag:s21], $0x8000  }
0x36: {  	[sflag:s21] =	ssyncset.done $0x0  }
0x37: {  	[sflag:s21] =	ssyncadd.s32 $0xFFFF8000  }
0x38: {  	_ =	swait.ge [sflag:s21], $0x8000  }
0x39: {  	[sflag:s21] =	ssyncset.done $0x0  }
0x3a: {  	[sflag:s21] =	ssyncadd.s32 $0xFFFF8000  }
0x3b: {  	_ =	swait.ge [sflag:s21], $0x8000  }
0x3c: {  	[sflag:s21] =	ssyncset.done $0x0  }
0x3d: {  	[sflag:s21] =	ssyncadd.s32 $0xFFFF8000  }
0x3e: {  	_ =	swait.ge [sflag:s21], $0x8000  }
0x3f: {  	[sflag:s21] =	ssyncset.done $0x0  }
0x40: {  	[sflag:s21] =	ssyncadd.s32 $0xFFFF8000  }
0x41: {  	_ =	swait.ge [sflag:s21], $0x8000  }
0x42: {  	s8 =	simm.s32 $0x8000;
	s17 =	simm.s32 $0x10000;
	[sflag:s21] =	ssyncset.done $0x0  }
.LBB2_2:
0x43: {  	s18 =	sadd.s32 s8, s15  }
0x44: {  	s11 =	sadd.s32 s8, s16;
	[sflag:s21] =	ssyncadd.s32 $0xFFFF8000;
	s8 =	smov.u32 s17  }
0x45: {  	[hbm4b:s18+s3] =	stream.linear.scatter [tilespmem:s19], [sflag:$0x3], $0x8000, $0x38;
	[tilespmem:$0x18400] =	vst v63  }
0x46: {  	p0 =	sne.s32 s17, $0x48000;
	s17 =	sadd.s32 $0x8000, s17;
	s18 =	sadd.s32 $0x1000, s11  }
0x47: {  	[hbm4b:s18+s3] =	stream.linear.scatter [tilespmem:s19], [sflag:$0x3], $0x8000, $0x38;
	[tilespmem:$0x18400] =	vst v63  }
0x48: {  	s18 =	sadd.s32 $0x2000, s11  }
0x49: {  	[hbm4b:s18+s3] =	stream.linear.scatter [tilespmem:s19], [sflag:$0x3], $0x8000, $0x38;
	[tilespmem:$0x18400] =	vst v63  }
0x4a: {  	s18 =	sadd.s32 $0x3000, s11  }
0x4b: {  	[hbm4b:s18+s3] =	stream.linear.scatter [tilespmem:s19], [sflag:$0x3], $0x8000, $0x38;
	[tilespmem:$0x18400] =	vst v63  }
0x4c: {  	s18 =	sadd.s32 $0x4000, s11  }
0x4d: {  	[hbm4b:s18+s3] =	stream.linear.scatter [tilespmem:s19], [sflag:$0x3], $0x8000, $0x38;
	[tilespmem:$0x18400] =	vst v63  }
0x4e: {  	s18 =	sadd.s32 $0x5000, s11  }
0x4f: {  	[hbm4b:s18+s3] =	stream.linear.scatter [tilespmem:s19], [sflag:$0x3], $0x8000, $0x38;
	[tilespmem:$0x18400] =	vst v63  }
0x50: {  	s18 =	sadd.s32 $0x6000, s11  }
0x51: {  	[hbm4b:s18+s3] =	stream.linear.scatter [tilespmem:s19], [sflag:$0x3], $0x8000, $0x38;
	[tilespmem:$0x18400] =	vst v63  }
0x52: {  	s11 =	sadd.s32 $0x7000, s11  }
0x53: {  	[hbm4b:s11+s3] =	stream.linear.scatter [tilespmem:s19], [sflag:$0x3], $0x8000, $0x38;
	[tilespmem:$0x18400] =	vst v63  }
0x54: {  	_ =	swait.ge [sflag:s21], $0x8000  }
0x55: {  	[sflag:s21] =	ssyncset.done $0x0  }
0x56: {  	[sflag:s21] =	ssyncadd.s32 $0xFFFF8000  }
0x57: {  	_ =	swait.ge [sflag:s21], $0x8000  }
0x58: {  	[sflag:s21] =	ssyncset.done $0x0  }
0x59: {  	[sflag:s21] =	ssyncadd.s32 $0xFFFF8000  }
0x5a: {  	_ =	swait.ge [sflag:s21], $0x8000  }
0x5b: {  	[sflag:s21] =	ssyncset.done $0x0  }
0x5c: {  	[sflag:s21] =	ssyncadd.s32 $0xFFFF8000  }
0x5d: {  	_ =	swait.ge [sflag:s21], $0x8000  }
0x5e: {  	[sflag:s21] =	ssyncset.done $0x0  }
0x5f: {  	[sflag:s21] =	ssyncadd.s32 $0xFFFF8000  }
0x60: {  	_ =	swait.ge [sflag:s21], $0x8000  }
0x61: {  	[sflag:s21] =	ssyncset.done $0x0  }
0x62: {  	[sflag:s21] =	ssyncadd.s32 $0xFFFF8000  }
0x63: {  	_ =	swait.ge [sflag:s21], $0x8000  }
0x64: {  	[sflag:s21] =	ssyncset.done $0x0  }
0x65: {  	[sflag:s21] =	ssyncadd.s32 $0xFFFF8000  }
.Ltmp0:
0x66: {  	_ =	swait.ge [sflag:s21], $0x8000;
	(pc) =	sbr.rel @p0 .LBB2_2-.Ltmp0, $4  }
0x67: {  	[sflag:s21] =	ssyncset.done $0x0  }
0x68: {  	[sflag:s21] =	ssyncadd.s32 $0xFFFF8000  }
0x69: {  	_ =	swait.ge [sflag:s21], $0x8000  }
0x6a: {  	[sflag:s21] =	ssyncset.done $0x0  }
0x6b: {  	s11 =	sadd.s32 s8, s15;
	s8 =	sadd.s32 s8, s16;
	[sflag:s21] =	ssyncadd.s32 $0xFFFF8000  }
0x6c: {  	[hbm4b:s11+s3] =	stream.linear.scatter [tilespmem:s19], [sflag:$0x3], $0x8000, $0x38;
	[tilespmem:$0x18400] =	vst v63  }
0x6d: {  	s17 =	sadd.s32 $0x1000, s8  }
0x6e: {  	[hbm4b:s17+s3] =	stream.linear.scatter [tilespmem:s19], [sflag:$0x3], $0x8000, $0x38;
	[tilespmem:$0x18400] =	vst v63  }
0x6f: {  	s18 =	sadd.s32 $0x2000, s8  }
0x70: {  	[hbm4b:s18+s3] =	stream.linear.scatter [tilespmem:s19], [sflag:$0x3], $0x8000, $0x38;
	[tilespmem:$0x18400] =	vst v63  }
0x71: {  	s17 =	sadd.s32 $0x3000, s8  }
0x72: {  	[hbm4b:s17+s3] =	stream.linear.scatter [tilespmem:s19], [sflag:$0x3], $0x8000, $0x38;
	[tilespmem:$0x18400] =	vst v63  }
0x73: {  	s18 =	sadd.s32 $0x4000, s8  }
0x74: {  	[hbm4b:s18+s3] =	stream.linear.scatter [tilespmem:s19], [sflag:$0x3], $0x8000, $0x38;
	[tilespmem:$0x18400] =	vst v63  }
0x75: {  	s17 =	sadd.s32 $0x5000, s8  }
0x76: {  	[hbm4b:s17+s3] =	stream.linear.scatter [tilespmem:s19], [sflag:$0x3], $0x8000, $0x38;
	[tilespmem:$0x18400] =	vst v63  }
0x77: {  	s18 =	sadd.s32 $0x6000, s8  }
0x78: {  	[hbm4b:s18+s3] =	stream.linear.scatter [tilespmem:s19], [sflag:$0x3], $0x8000, $0x38;
	[tilespmem:$0x18400] =	vst v63  }
0x79: {  	s8 =	sadd.s32 $0x7000, s8  }
0x7a: {  	[hbm4b:s8+s3] =	stream.linear.scatter [tilespmem:s19], [sflag:$0x3], $0x8000, $0x38;
	[tilespmem:$0x18400] =	vst v63  }
0x7b: {  	_ =	swait.ge [sflag:s21], $0x8000  }
0x7c: {  	[sflag:s21] =	ssyncset.done $0x0  }
0x7d: {  	[sflag:s21] =	ssyncadd.s32 $0xFFFF8000  }
0x7e: {  	_ =	swait.ge [sflag:s21], $0x8000  }
0x7f: {  	[sflag:s21] =	ssyncset.done $0x0  }
0x80: {  	[sflag:s21] =	ssyncadd.s32 $0xFFFF8000  }
0x81: {  	_ =	swait.ge [sflag:s21], $0x8000  }
0x82: {  	[sflag:s21] =	ssyncset.done $0x0  }
0x83: {  	[sflag:s21] =	ssyncadd.s32 $0xFFFF8000  }
0x84: {  	_ =	swait.ge [sflag:s21], $0x8000  }
0x85: {  	[sflag:s21] =	ssyncset.done $0x0  }
0x86: {  	[sflag:s21] =	ssyncadd.s32 $0xFFFF8000  }
0x87: {  	_ =	swait.ge [sflag:s21], $0x8000  }
0x88: {  	[sflag:s21] =	ssyncset.done $0x0  }
0x89: {  	[sflag:s21] =	ssyncadd.s32 $0xFFFF8000  }
0x8a: {  	_ =	swait.ge [sflag:s21], $0x8000  }
0x8b: {  	[sflag:s21] =	ssyncset.done $0x0  }
0x8c: {  	[sflag:s21] =	ssyncadd.s32 $0xFFFF8000  }
0x8d: {  	_ =	swait.ge [sflag:s21], $0x8000  }
0x8e: {  	[sflag:s21] =	ssyncset.done $0x0  }
0x8f: {  	[sflag:s21] =	ssyncadd.s32 $0xFFFF8000  }
0x90: {  	_ =	swait.ge [sflag:s21], $0x8000  }
0x91: {  	[sflag:s21] =	ssyncset.done $0x0  }
0x92: {  	s11 =	rddreg [dreg:$0x4];
	[sflag:s21] =	ssyncadd.s32 $0xFFFF8000  }
0x93: {  	[hbm4b:s11+s3] =	stream.linear.scatter [tilespmem:s19], [sflag:$0x3], $0x8000, $0x38;
	[tilespmem:$0x18400] =	vst v63  }
0x94: {  	s17 =	rddreg [dreg:$0x5]  }
0x95: {  	[hbm4b:s17+s3] =	stream.linear.scatter [tilespmem:s19], [sflag:$0x3], $0x8000, $0x38;
	[tilespmem:$0x18400] =	vst v63  }
0x96: {  	s18 =	rddreg [dreg:$0x6]  }
0x97: {  	[hbm4b:s18+s3] =	stream.linear.scatter [tilespmem:s19], [sflag:$0x3], $0x8000, $0x38;
	[tilespmem:$0x18400] =	vst v63  }
0x98: {  	s11 =	rddreg [dreg:$0x7]  }
0x99: {  	[hbm4b:s11+s3] =	stream.linear.scatter [tilespmem:s19], [sflag:$0x3], $0x8000, $0x38;
	[tilespmem:$0x18400] =	vst v63  }
0x9a: {  	s17 =	rddreg [dreg:$0x8]  }
0x9b: {  	[hbm4b:s17+s3] =	stream.linear.scatter [tilespmem:s19], [sflag:$0x3], $0x8000, $0x38;
	[tilespmem:$0x18400] =	vst v63  }
0x9c: {  	s18 =	rddreg [dreg:$0x9]  }
0x9d: {  	[hbm4b:s18+s3] =	stream.linear.scatter [tilespmem:s19], [sflag:$0x3], $0x8000, $0x38;
	[tilespmem:$0x18400] =	vst v63  }
0x9e: {  	_ = 	snop  }
0x9f: {  	[hbm4b:s12+s3] =	stream.linear.scatter [tilespmem:s19], [sflag:$0x3], $0x800, $0x38;
	[tilespmem:$0x18400] =	vst v63  }
0xa0: {  	_ =	swait.ge [sflag:s21], $0x8000  }
0xa1: {  	[sflag:s21] =	ssyncset.done $0x0  }
0xa2: {  	[sflag:s21] =	ssyncadd.s32 $0xFFFF8000  }
0xa3: {  	_ =	swait.ge [sflag:s21], $0x8000  }
0xa4: {  	[sflag:s21] =	ssyncset.done $0x0  }
0xa5: {  	[sflag:s21] =	ssyncadd.s32 $0xFFFF8000  }
0xa6: {  	_ =	swait.ge [sflag:s21], $0x8000  }
0xa7: {  	[sflag:s21] =	ssyncset.done $0x0  }
0xa8: {  	[sflag:s21] =	ssyncadd.s32 $0xFFFF8000  }
0xa9: {  	_ =	swait.ge [sflag:s21], $0x8000  }
0xaa: {  	[sflag:s21] =	ssyncset.done $0x0  }
0xab: {  	[sflag:s21] =	ssyncadd.s32 $0xFFFF8000  }
0xac: {  	_ =	swait.ge [sflag:s21], $0x8000  }
0xad: {  	[sflag:s21] =	ssyncset.done $0x0  }
0xae: {  	[sflag:s21] =	ssyncadd.s32 $0xFFFF8000  }
0xaf: {  	_ =	swait.ge [sflag:s21], $0x8000  }
0xb0: {  	[sflag:s21] =	ssyncset.done $0x0  }
0xb1: {  	[sflag:s21] =	ssyncadd.s32 $0xFFFF8000  }
0xb2: {  	_ =	swait.ge [sflag:s21], $0x800  }
0xb3: {  	[sflag:s21] =	ssyncset.done $0x0  }
0xb4: {  	[sflag:s21] =	ssyncadd.s32 $0xFFFFF800  }
0xb5: {  	[bflag:$0x0] =	sbarrier.arrive $0xFFFF  }
0xb6: {  	[tilespmem:s3], [sflag:$0x4] =	stream.linear.gather [hbm4b:s10+s3], $0x200, $0x38;
	[tilespmem:$0x18400] =	vst v63  }
0xb7: {  	_ =	swait.ge [sflag:s20], $0x200  }
0xb8: {  	[sflag:s20] =	ssyncset.done $0x0  }
0xb9: {  	[sflag:s20] =	ssyncadd.s32 $0xFFFFFE00  }
0xba: {  	[tilespmem:s22], [sflag:$0x4] =	stream.linear.gather [hbm4b:s9+s3], $0x200, $0x38;
	[tilespmem:$0x18400] =	vst v63  }
0xbb: {  	_ =	swait.ge [sflag:s20], $0x200  }
0xbc: {  	[sflag:s20] =	ssyncset.done $0x0  }
0xbd: {  	[sflag:s20] =	ssyncadd.s32 $0xFFFFFE00  }
0xbe: {  	[tilespmem:s24], [sflag:$0x1] =	stream.indirect.gather [hbm4b:s4+s23], $0x80, s3, s23, $0xb8;
	[tilespmem:$0x18400] =	vst v63  }
0xbf: {  	_ = 	snop  }
0xc0: {  	[tilespmem:s25], [sflag:$0x1] =	stream.indirect.gather [hbm4b:s4+s23], $0x80, s23, s23, $0xb8;
	[tilespmem:$0x18400] =	vst v63  }
0xc1: {  	_ = 	snop  }
0xc2: {  	[tilespmem:s28], [sflag:$0x1] =	stream.indirect.gather [hbm4b:s4+s23], $0x80, s26, s23, $0xb8;
	[tilespmem:$0x18400] =	vst v63  }
0xc3: {  	_ = 	snop  }
0xc4: {  	[tilespmem:s30], [sflag:$0x1] =	stream.indirect.gather [hbm4b:s4+s23], $0x80, s29, s23, $0xb8;
	[tilespmem:$0x18400] =	vst v63  }
0xc5: {  	_ =	swait.ge [sflag:s31], $0x4000  }
0xc6: {  	[sflag:s31] =	ssyncset.done $0x0  }
0xc7: {  	[sflag:s31] =	ssyncadd.s32 $0xFFFFC000  }
0xc8: {  	_ =	swait.ge [sflag:s31], $0x4000  }
0xc9: {  	[sflag:s31] =	ssyncset.done $0x0  }
0xca: {  	[sflag:s31] =	ssyncadd.s32 $0xFFFFC000  }
0xcb: {  	_ =	swait.ge [sflag:s31], $0x4000  }
0xcc: {  	[sflag:s31] =	ssyncset.done $0x0  }
0xcd: {  	[sflag:s31] =	ssyncadd.s32 $0xFFFFC000  }
0xce: {  	_ =	swait.ge [sflag:s31], $0x4000  }
0xcf: {  	[sflag:s31] =	ssyncset.done $0x0  }
0xd0: {  	[sflag:s31] =	ssyncadd.s32 $0xFFFFC000  }
0xd1: {  	[hbm4b:s2+s23] =	stream.indirect.scatter [tilespmem:s24], [sflag:$0x2], $0x80, s22, s23, $0xb8;
	[tilespmem:$0x18400] =	vst v63  }
0xd2: {  	_ = 	snop  }
0xd3: {  	[hbm4b:s2+s23] =	stream.indirect.scatter [tilespmem:s25], [sflag:$0x2], $0x80, s0, s23, $0xb8;
	[tilespmem:$0x18400] =	vst v63  }
0xd4: {  	_ = 	snop  }
0xd5: {  	[hbm4b:s2+s23] =	stream.indirect.scatter [tilespmem:s28], [sflag:$0x2], $0x80, s1, s23, $0xb8;
	[tilespmem:$0x18400] =	vst v63  }
0xd6: {  	_ = 	snop  }
0xd7: {  	[hbm4b:s2+s23] =	stream.indirect.scatter [tilespmem:s30], [sflag:$0x2], $0x80, s5, s23, $0xb8;
	[tilespmem:$0x18400] =	vst v63  }
0xd8: {  	_ =	swait.ge [sflag:s6], $0x4000  }
0xd9: {  	[sflag:s6] =	ssyncset.done $0x0  }
0xda: {  	[sflag:s6] =	ssyncadd.s32 $0xFFFFC000  }
0xdb: {  	_ =	swait.ge [sflag:s6], $0x4000  }
0xdc: {  	[sflag:s6] =	ssyncset.done $0x0  }
0xdd: {  	p0 =	sne.s32 s13, $0x1;
	[sflag:s6] =	ssyncadd.s32 $0xFFFFC000  }
.Ltmp1:
0xde: {  	_ =	swait.ge [sflag:s6], $0x4000;
	(pc) =	sbr.rel @!p0 .LBB2_5-.Ltmp1, $4  }
0xdf: {  	[sflag:s6] =	ssyncset.done $0x0  }
0xe0: {  	[sflag:s6] =	ssyncadd.s32 $0xFFFFC000  }
0xe1: {  	s8 =	sadd.s32 $0xFFFFFFFF, s13;
	_ =	swait.ge [sflag:s6], $0x4000  }
0xe2: {  	s17 =	smov.u32 s9;
	s18 =	smov.u32 s10;
	[sflag:s6] =	ssyncset.done $0x0  }
.LBB2_4:
0xe3: {  	[sflag:s6] =	ssyncadd.s32 $0xFFFFC000;
	s17 =	sadd.s32 $0x400, s17;
	s18 =	sadd.s32 $0x400, s18  }
0xe4: {  	[tilespmem:s3], [sflag:$0x4] =	stream.linear.gather [hbm4b:s18+s3], $0x200, $0x38;
	[tilespmem:$0x18400] =	vst v63  }
0xe5: {  	p0 =	sne.s32 s8, $0x1;
	s8 =	sadd.s32 $0xFFFFFFFF, s8;
	_ =	swait.ge [sflag:s20], $0x200  }
0xe6: {  	[sflag:s20] =	ssyncset.done $0x0  }
0xe7: {  	[sflag:s20] =	ssyncadd.s32 $0xFFFFFE00  }
0xe8: {  	[tilespmem:s22], [sflag:$0x4] =	stream.linear.gather [hbm4b:s17+s3], $0x200, $0x38;
	[tilespmem:$0x18400] =	vst v63  }
0xe9: {  	_ =	swait.ge [sflag:s20], $0x200  }
0xea: {  	[sflag:s20] =	ssyncset.done $0x0  }
0xeb: {  	[sflag:s20] =	ssyncadd.s32 $0xFFFFFE00  }
0xec: {  	[tilespmem:s24], [sflag:$0x1] =	stream.indirect.gather [hbm4b:s4+s23], $0x80, s3, s23, $0xb8;
	[tilespmem:$0x18400] =	vst v63  }
0xed: {  	_ = 	snop  }
0xee: {  	[tilespmem:s25], [sflag:$0x1] =	stream.indirect.gather [hbm4b:s4+s23], $0x80, s23, s23, $0xb8;
	[tilespmem:$0x18400] =	vst v63  }
0xef: {  	_ = 	snop  }
0xf0: {  	[tilespmem:s28], [sflag:$0x1] =	stream.indirect.gather [hbm4b:s4+s23], $0x80, s26, s23, $0xb8;
	[tilespmem:$0x18400] =	vst v63  }
0xf1: {  	_ = 	snop  }
0xf2: {  	[tilespmem:s30], [sflag:$0x1] =	stream.indirect.gather [hbm4b:s4+s23], $0x80, s29, s23, $0xb8;
	[tilespmem:$0x18400] =	vst v63  }
0xf3: {  	_ =	swait.ge [sflag:s31], $0x4000  }
0xf4: {  	[sflag:s31] =	ssyncset.done $0x0  }
0xf5: {  	[sflag:s31] =	ssyncadd.s32 $0xFFFFC000  }
0xf6: {  	_ =	swait.ge [sflag:s31], $0x4000  }
0xf7: {  	[sflag:s31] =	ssyncset.done $0x0  }
0xf8: {  	[sflag:s31] =	ssyncadd.s32 $0xFFFFC000  }
0xf9: {  	_ =	swait.ge [sflag:s31], $0x4000  }
0xfa: {  	[sflag:s31] =	ssyncset.done $0x0  }
0xfb: {  	[sflag:s31] =	ssyncadd.s32 $0xFFFFC000  }
0xfc: {  	_ =	swait.ge [sflag:s31], $0x4000  }
0xfd: {  	[sflag:s31] =	ssyncset.done $0x0  }
0xfe: {  	[sflag:s31] =	ssyncadd.s32 $0xFFFFC000  }
0xff: {  	[hbm4b:s2+s23] =	stream.indirect.scatter [tilespmem:s24], [sflag:$0x2], $0x80, s22, s23, $0xb8;
	[tilespmem:$0x18400] =	vst v63  }
0x100: {  	_ = 	snop  }
0x101: {  	[hbm4b:s2+s23] =	stream.indirect.scatter [tilespmem:s25], [sflag:$0x2], $0x80, s0, s23, $0xb8;
	[tilespmem:$0x18400] =	vst v63  }
0x102: {  	_ = 	snop  }
0x103: {  	[hbm4b:s2+s23] =	stream.indirect.scatter [tilespmem:s28], [sflag:$0x2], $0x80, s1, s23, $0xb8;
	[tilespmem:$0x18400] =	vst v63  }
0x104: {  	_ = 	snop  }
0x105: {  	[hbm4b:s2+s23] =	stream.indirect.scatter [tilespmem:s30], [sflag:$0x2], $0x80, s5, s23, $0xb8;
	[tilespmem:$0x18400] =	vst v63  }
0x106: {  	_ =	swait.ge [sflag:s6], $0x4000  }
0x107: {  	[sflag:s6] =	ssyncset.done $0x0  }
0x108: {  	[sflag:s6] =	ssyncadd.s32 $0xFFFFC000  }
0x109: {  	_ =	swait.ge [sflag:s6], $0x4000  }
0x10a: {  	[sflag:s6] =	ssyncset.done $0x0  }
0x10b: {  	[sflag:s6] =	ssyncadd.s32 $0xFFFFC000  }
.Ltmp2:
0x10c: {  	_ =	swait.ge [sflag:s6], $0x4000;
	(pc) =	sbr.rel @p0 .LBB2_4-.Ltmp2, $4  }
0x10d: {  	[sflag:s6] =	ssyncset.done $0x0  }
0x10e: {  	[sflag:s6] =	ssyncadd.s32 $0xFFFFC000  }
0x10f: {  	_ =	swait.ge [sflag:s6], $0x4000  }
0x110: {  	[sflag:s6] =	ssyncset.done $0x0  }
.LBB2_5:
0x111: {  	s7 =	sadd.s32 $0x1, s7  }
0x112: {  	p0 =	sne.s32 s7, s14  }
.Ltmp3:
0x113: {  	_ = 	snop;
	(pc) =	sbr.rel @p0 .LBB2_1-.Ltmp3, $2  }
0x114: {  	_ =	sdelay $0x2  }
0x115: {  	[sflag:s6] =	ssyncadd.s32 $0xFFFFC000  }
0x116: {  	_ =	sfence.sel $0x180000  }
0x117: {  	[bflag:$0x0] =	sbarrier.arrive $0xFFFF  }
0x118: {  	_ =	strace $0x90000047  }
0x119: {  	s0 =	stileid.u32;
	[bflag:$0x2] =	sbarrier.arrive $0xFFFF  }
0x11a: {  	p0 =	sne.s32 s0, $0x0;
	s0 =	rddreg [dreg:$0x2]  }
0x11b: {  	s0 =	sadd.s32 @!p0 $0x100000, s0  }
0x11c: {  	[sflag:s0] =	ssyncadd.tile.s32 @!p0 $0x1;
	_ =	shalt  }
.Lfunc_end2:
_tile_overlayer_lowered:
.L_overlay_start_2:
0x11d: {  	(tag) =	ssettag $0x2  }
0x11e: {  	s0 =	rddreg [dreg:$0x0];
	s2 =	stileid.u32  }
0x11f: {  	s1 =	rddreg [dreg:$0x1];
	p0 =	sne.s32 s2, $0x0  }
0x120: {  	s3 =	rddreg [dreg:$0x2];
	[bflag:$0x3] =	sbarrier.arrive $0xFFFF;
	s2 =	simm.s32 @!p0 $0x1C04  }
0x121: {  	[timem:s3], [sflag:s2] =	dma.local @!p0 [hbm:s0], s1  }
0x122: {  	s0 =	simm.s32 @!p0 $0x4  }
0x123: {  	_ =	swait.ge @!p0 [sflag:s0], s1  }
0x124: {  	s1 =	ssub.s32 @!p0 $0x0, s1;
	[sflag:s0] =	ssyncset.done @!p0 $0x0  }
0x125: {  	[sflag:s0] =	ssyncadd.s32 @!p0 s1  }
0x126: {  	[bflag:$0x3] =	sbarrier.arrive $0xFFFF  }
0x127: {  	_ =	shalt  }

</sc_bundles>
